<compile_context>
chip_gen: v7x
topology: tpu7x:2x2x1
jax: 0.10.2.dev20260603
libtpu: 0.0.44.dev20260713+nightly
codegen_flags: <defaults>
</compile_context>

<pallas_src>
import functools
import math

import jax
import jax.numpy as jnp
from jax import lax
from jax.experimental import pallas as pl
from jax.experimental.pallas import tpu as pltpu
from jax.experimental.pallas import tpu_sc as plsc

_EMBED_DIM = 64
_WIDE = 128
_SCALE = math.sqrt(_EMBED_DIM)

_NC = 2
_NS = 16
_NW = _NC * _NS

_H_OFF = (0, 96)
_H_CNT = (96, 104)
_BUF = 104


def _make_kernel(V_pad, R, S):
  r_per_w = R // _NW
  row_pairs = r_per_w // 2
  stage_cnt = (96, 96, 104)
  stage_off = (0, 96, 192)
  assert sum(stage_cnt) == V_pad // _NS

  mesh = plsc.VectorSubcoreMesh(core_axis_name="c", subcore_axis_name="s",
                                num_cores=_NC, num_subcores=_NS)

  @functools.partial(
      pl.kernel,
      mesh=mesh,
      out_type=jax.ShapeDtypeStruct((R, S, _EMBED_DIM), jnp.float32),
      scratch_types=[
          pltpu.VMEM_SHARED((V_pad, _WIDE), jnp.float32),
          [pltpu.VMEM((_BUF,), jnp.int32)] * 4,
          [pltpu.VMEM((_BUF, _WIDE), jnp.float32)] * 2,
          [pltpu.VMEM((_BUF, _EMBED_DIM), jnp.float32)] * 2,
          [pltpu.SemaphoreType.DMA] * 4,
          [pltpu.SemaphoreType.DMA] * 2,
          [pltpu.SemaphoreType.DMA] * 2,
      ],
  )
  def k(lut_hbm, idx_hbm, out_hbm, table_sh, idxs, wides, packs,
        sems_i, sems_g, sems_w):
    cid = lax.axis_index("c")
    sid = lax.axis_index("s")
    wid = sid * _NC + cid

    tile_row0 = sid * (V_pad // _NS)
    for t in range(3):
      cnt = stage_cnt[t]
      row0 = tile_row0 + stage_off[t]
      stage = wides[0].at[pl.ds(0, cnt)]
      pltpu.sync_copy(lut_hbm.at[pl.ds(row0, cnt)], stage)

      def scale_row(i, _):
        for j in range(_WIDE // 16):
          wides[0][i, pl.ds(j * 16, 16)] = (
              wides[0][i, pl.ds(j * 16, 16)] * _SCALE)
        return 0

      lax.fori_loop(0, cnt, scale_row, 0)
      pltpu.sync_copy(stage, table_sh.at[pl.ds(row0, cnt)])
    plsc.subcore_barrier()

    row_base = wid * r_per_w
    idx_base = wid * r_per_w * S

    def idx_copy(r, h, b):
      return pltpu.make_async_copy(
          idx_hbm.at[pl.ds(idx_base + r * S + _H_OFF[h], _H_CNT[h])],
          idxs[b].at[pl.ds(0, _H_CNT[h])], sems_i[b])

    def gather_copy(b, h):
      return pltpu.make_async_copy(
          table_sh.at[idxs[b].at[pl.ds(0, _H_CNT[h])]],
          wides[h].at[pl.ds(0, _H_CNT[h])], sems_g[h])

    def repack(h):
      def rp_row(i, _):
        for j in range(_EMBED_DIM // 16):
          packs[h][i, pl.ds(j * 16, 16)] = wides[h][i, pl.ds(j * 16, 16)]
        return 0
      lax.fori_loop(0, _H_CNT[h], rp_row, 0)

    def out_copy(r, h):
      return pltpu.make_async_copy(
          packs[h].at[pl.ds(0, _H_CNT[h])],
          out_hbm.at[row_base + r, pl.ds(_H_OFF[h], _H_CNT[h])],
          sems_w[h])

    for b in range(3):
      idx_copy(b // 2, b % 2, b).start()

    pf = ((1, 1, 3), (2, 0, 0), (2, 1, 1), (3, 0, 2))

    def body(g, _):
      for rr in range(2):
        r = g * 2 + rr
        for h in range(2):
          b = 2 * rr + h
          hp = 1 - h
          idx_copy(r, h, b).wait()

          if b >= 2:
            out_copy(r, h).wait()
          else:
            @pl.when(g > 0)
            def _():
              out_copy(r, h).wait()

          gather_copy(b, h).start()

          rp = r if h == 1 else r - 1
          if b >= 1:
            gather_copy((b + 3) % 4, hp).wait()
            repack(hp)
            out_copy(rp, hp).start()
          else:
            @pl.when(g > 0)
            def _():
              gather_copy((b + 3) % 4, hp).wait()
              repack(hp)
              out_copy(rp, hp).start()

          dr, nh, slot = pf[b]
          if b == 0:
            idx_copy(g * 2 + dr, nh, slot).start()
          else:
            @pl.when(g + 1 < row_pairs)
            def _():
              idx_copy(g * 2 + dr, nh, slot).start()
      return 0

    lax.fori_loop(0, row_pairs, body, 0)

    gather_copy(3, 1).wait()
    repack(1)
    out_copy(r_per_w - 1, 1).start()
    out_copy(r_per_w - 1, 0).wait()
    out_copy(r_per_w - 1, 1).wait()

  return k


def kernel(x, lut):
  V, D = lut.shape
  R, S = x.shape
  V_pad = -(-V // (_NS * 8)) * (_NS * 8)
  lut_pad = jnp.pad(lut, ((0, V_pad - V), (0, _WIDE - D)))
  idx_flat = x.reshape(-1).astype(jnp.int32)
  return _make_kernel(V_pad, R, S)(lut_pad, idx_flat)

# --- scband reference (transcript-rebuilt; emitter-appended) ---
"""Pipeline reference for scband-dm-embeddings-12927851561061 (READ-ONLY COPY).

The authoritative reference and input builder live on the scoring server;
editing this copy changes nothing except your own understanding.
"""

import jax, jax.numpy as jnp
import numpy as np
import math

VOCAB = 4634
EMBED_DIM = 64

def setup_inputs(seed: int = 0) -> dict:
    key = jax.random.key(seed)
    k1, k2 = jax.random.split(key)
    x = jax.random.randint(k1, (4096, 200), 0, VOCAB, dtype=jnp.int64 if jax.config.jax_enable_x64 else jnp.int32)
    lut = jax.random.normal(k2, (VOCAB, EMBED_DIM), dtype=jnp.float32)
    return {"x": x, "lut": lut}

def reference(x, lut):
    # embedding lookup then scale by sqrt(embed_dim), faithful to nn.Embedding(...)(x) * sqrt(d)
    emb = jnp.take(lut, x, axis=0)
    return emb * math.sqrt(EMBED_DIM)

if __name__ == "__main__":
    import jax
    _d = setup_inputs()
    print(jax.jit(kernel)(*tuple(_d.values())))

</pallas_src>

<mosaic_0001>
#map = affine_map<(d0, d1) -> (0, 0)>
#map1 = affine_map<(d0, d1) -> (0)>
#map2 = affine_map<(d0, d1) -> (0, 0, 0)>
module attributes {stable_mosaic.version = 14 : i64} {
  func.func @k(%arg0: i32, %arg1: i32, %arg2: memref<4736x128xf32, #tpu.memory_space<hbm>>, %arg3: memref<819200xi32, #tpu.memory_space<hbm>>, %arg4: memref<4096x200x64xf32, #tpu.memory_space<hbm>>, %arg5: memref<4736x128xf32, #tpu.memory_space<vmem_shared>>, %arg6: memref<104xi32, #tpu.memory_space<vmem>>, %arg7: memref<104xi32, #tpu.memory_space<vmem>>, %arg8: memref<104xi32, #tpu.memory_space<vmem>>, %arg9: memref<104xi32, #tpu.memory_space<vmem>>, %arg10: memref<104x128xf32, #tpu.memory_space<vmem>>, %arg11: memref<104x128xf32, #tpu.memory_space<vmem>>, %arg12: memref<104x64xf32, #tpu.memory_space<vmem>>, %arg13: memref<104x64xf32, #tpu.memory_space<vmem>>, %arg14: memref<!tpu.dma_semaphore, #tpu.memory_space<semaphore_mem>>, %arg15: memref<!tpu.dma_semaphore, #tpu.memory_space<semaphore_mem>>, %arg16: memref<!tpu.dma_semaphore, #tpu.memory_space<semaphore_mem>>, %arg17: memref<!tpu.dma_semaphore, #tpu.memory_space<semaphore_mem>>, %arg18: memref<!tpu.dma_semaphore, #tpu.memory_space<semaphore_mem>>, %arg19: memref<!tpu.dma_semaphore, #tpu.memory_space<semaphore_mem>>, %arg20: memref<!tpu.dma_semaphore, #tpu.memory_space<semaphore_mem>>, %arg21: memref<!tpu.dma_semaphore, #tpu.memory_space<semaphore_mem>>) attributes {dimension_semantics = [#tpu.dimension_semantics<core_parallel>, #tpu.dimension_semantics<subcore_parallel>], iteration_bounds = array<i64: 2, 16>, scalar_prefetch = 0 : i64, scratch_operands = 17 : i64, tpu.core_type = #tpu.core_type<sc_vector_subcore>, window_params = [{transform_indices = #map}, {transform_indices = #map1}, {transform_indices = #map2}]} {
    %mul3A = arith.constant 2 : i32
    %mul3A_0 = arith.muli %arg1, %mul3A : i32
    %add3A = arith.addi %mul3A_0, %arg0 : i32
    %mul3A_1 = arith.constant 296 : i32
    %mul3A_2 = arith.muli %arg1, %mul3A_1 : i32
    %add3A_3 = arith.constant 0 : i32
    %add3A_4 = arith.addi %mul3A_2, %add3A_3 : i32
    "tpu.region"() ({
      %run_scoped3A = tpu.sem_alloc : memref<!tpu.dma_semaphore, #tpu.memory_space<semaphore_mem>>
      %dma_start3A_133 = arith.constant 0 : i32
      %dma_start3A_134 = arith.constant 0 : i32
      %dma_start3A_135 = tpu.memref_slice %arg10[%dma_start3A_133, %dma_start3A_134] : memref<104x128xf32, #tpu.memory_space<vmem>> -> memref<96x128xf32, #tpu.memory_space<vmem>>
      %dma_start3A_136 = arith.constant 0 : i32
      %dma_start3A_137 = tpu.memref_slice %arg2[%add3A_4, %dma_start3A_136] : memref<4736x128xf32, #tpu.memory_space<hbm>> -> memref<96x128xf32, #tpu.memory_space<hbm>>
      %dma_start3A_138 = arith.constant 0 : i32
      %dma_start3A_139 = arith.constant 0 : i32
      %dma_start3A_140 = tpu.memref_slice %arg10[%dma_start3A_138, %dma_start3A_139] : memref<104x128xf32, #tpu.memory_space<vmem>> -> memref<96x128xf32, #tpu.memory_space<vmem>>
      %dma_start3A_141 = arith.constant 0 : i32
      %dma_start3A_142 = tpu.memref_slice %arg2[%add3A_4, %dma_start3A_141] : memref<4736x128xf32, #tpu.memory_space<hbm>> -> memref<96x128xf32, #tpu.memory_space<hbm>>
      tpu.enqueue_dma source(%dma_start3A_142 : memref<96x128xf32, #tpu.memory_space<hbm>>) target(%dma_start3A_140 : memref<96x128xf32, #tpu.memory_space<vmem>>) target_semaphore(%run_scoped3A : memref<!tpu.dma_semaphore, #tpu.memory_space<semaphore_mem>>)
      %dma_wait3A_143 = arith.constant 0 : i32
      %dma_wait3A_144 = arith.constant 0 : i32
      %dma_wait3A_145 = tpu.memref_slice %arg10[%dma_wait3A_143, %dma_wait3A_144] : memref<104x128xf32, #tpu.memory_space<vmem>> -> memref<96x128xf32, #tpu.memory_space<vmem>>
      %dma_wait3A_146 = arith.constant 0 : i32
      %dma_wait3A_147 = tpu.memref_slice %arg2[%add3A_4, %dma_wait3A_146] : memref<4736x128xf32, #tpu.memory_space<hbm>> -> memref<96x128xf32, #tpu.memory_space<hbm>>
      %dma_wait3A_148 = arith.constant 0 : i32
      %dma_wait3A_149 = arith.constant 0 : i32
      %dma_wait3A_150 = tpu.memref_slice %arg10[%dma_wait3A_148, %dma_wait3A_149] : memref<104x128xf32, #tpu.memory_space<vmem>> -> memref<96x128xf32, #tpu.memory_space<vmem>>
      %dma_wait3A_151 = arith.constant 0 : i32
      %dma_wait3A_152 = tpu.memref_slice %arg2[%add3A_4, %dma_wait3A_151] : memref<4736x128xf32, #tpu.memory_space<hbm>> -> memref<96x128xf32, #tpu.memory_space<hbm>>
      tpu.wait_dma2 semaphore(%run_scoped3A : memref<!tpu.dma_semaphore, #tpu.memory_space<semaphore_mem>>) src(%dma_wait3A_152 : memref<96x128xf32, #tpu.memory_space<hbm>>) dst(%dma_wait3A_150 : memref<96x128xf32, #tpu.memory_space<vmem>>)
      tpu.yield
    }) : () -> ()
    %scan3A = arith.constant 0 : i32
    %scan3A_5 = arith.constant 0 : i32
    %scan3A_6 = arith.constant 96 : i32
    %scan3A_7 = arith.addi %scan3A_5, %scan3A_6 : i32
    %scan3A_8 = arith.constant 1 : i32
    %scan3A_9 = scf.for %scan3A_133 = %scan3A_5 to %scan3A_7 step %scan3A_8 iter_args(%scan3A_134 = %scan3A) -> (i32)  : i32 {
      %get3A = arith.index_cast %scan3A_133 : i32 to index
      %get3A_135 = arith.constant 0 : index
      %get3A_136 = tpu.vector_load %arg10[%get3A, %get3A_135] {strides = array<i32>} : memref<104x128xf32, #tpu.memory_space<vmem>>, vector<1x16xf32>,
      %get3A_137 = vector.shape_cast %get3A_136 : vector<1x16xf32> to vector<16xf32>
      %mul3A_138 = arith.constant 8.000000e+00 : f32
      %mul3A_139 = vector.broadcast %mul3A_138 : f32 to vector<16xf32>
      %mul3A_140 = arith.mulf %get3A_137, %mul3A_139 : vector<16xf32>
      %swap3A = arith.index_cast %scan3A_133 : i32 to index
      %swap3A_141 = arith.constant 0 : index
      %swap3A_142 = tpu.vector_load %arg10[%swap3A, %swap3A_141] {strides = array<i32>} : memref<104x128xf32, #tpu.memory_space<vmem>>, vector<1x16xf32>,
      %swap3A_143 = vector.shape_cast %swap3A_142 : vector<1x16xf32> to vector<16xf32>
      %swap3A_144 = vector.shape_cast %mul3A_140 : vector<16xf32> to vector<1x16xf32>
      tpu.vector_store %arg10[%swap3A, %swap3A_141], %swap3A_144 {strides = array<i32>} : memref<104x128xf32, #tpu.memory_space<vmem>>, vector<1x16xf32>,
      %get3A_145 = arith.index_cast %scan3A_133 : i32 to index
      %get3A_146 = arith.constant 16 : index
      %get3A_147 = tpu.vector_load %arg10[%get3A_145, %get3A_146] {strides = array<i32>} : memref<104x128xf32, #tpu.memory_space<vmem>>, vector<1x16xf32>,
      %get3A_148 = vector.shape_cast %get3A_147 : vector<1x16xf32> to vector<16xf32>
      %mul3A_149 = arith.constant 8.000000e+00 : f32
      %mul3A_150 = vector.broadcast %mul3A_149 : f32 to vector<16xf32>
      %mul3A_151 = arith.mulf %get3A_148, %mul3A_150 : vector<16xf32>
      %swap3A_152 = arith.index_cast %scan3A_133 : i32 to index
      %swap3A_153 = arith.constant 16 : index
      %swap3A_154 = tpu.vector_load %arg10[%swap3A_152, %swap3A_153] {strides = array<i32>} : memref<104x128xf32, #tpu.memory_space<vmem>>, vector<1x16xf32>,
      %swap3A_155 = vector.shape_cast %swap3A_154 : vector<1x16xf32> to vector<16xf32>
      %swap3A_156 = vector.shape_cast %mul3A_151 : vector<16xf32> to vector<1x16xf32>
      tpu.vector_store %arg10[%swap3A_152, %swap3A_153], %swap3A_156 {strides = array<i32>} : memref<104x128xf32, #tpu.memory_space<vmem>>, vector<1x16xf32>,
      %get3A_157 = arith.index_cast %scan3A_133 : i32 to index
      %get3A_158 = arith.constant 32 : index
      %get3A_159 = tpu.vector_load %arg10[%get3A_157, %get3A_158] {strides = array<i32>} : memref<104x128xf32, #tpu.memory_space<vmem>>, vector<1x16xf32>,
      %get3A_160 = vector.shape_cast %get3A_159 : vector<1x16xf32> to vector<16xf32>
      %mul3A_161 = arith.constant 8.000000e+00 : f32
      %mul3A_162 = vector.broadcast %mul3A_161 : f32 to vector<16xf32>
      %mul3A_163 = arith.mulf %get3A_160, %mul3A_162 : vector<16xf32>
      %swap3A_164 = arith.index_cast %scan3A_133 : i32 to index
      %swap3A_165 = arith.constant 32 : index
      %swap3A_166 = tpu.vector_load %arg10[%swap3A_164, %swap3A_165] {strides = array<i32>} : memref<104x128xf32, #tpu.memory_space<vmem>>, vector<1x16xf32>,
      %swap3A_167 = vector.shape_cast %swap3A_166 : vector<1x16xf32> to vector<16xf32>
      %swap3A_168 = vector.shape_cast %mul3A_163 : vector<16xf32> to vector<1x16xf32>
      tpu.vector_store %arg10[%swap3A_164, %swap3A_165], %swap3A_168 {strides = array<i32>} : memref<104x128xf32, #tpu.memory_space<vmem>>, vector<1x16xf32>,
      %get3A_169 = arith.index_cast %scan3A_133 : i32 to index
      %get3A_170 = arith.constant 48 : index
      %get3A_171 = tpu.vector_load %arg10[%get3A_169, %get3A_170] {strides = array<i32>} : memref<104x128xf32, #tpu.memory_space<vmem>>, vector<1x16xf32>,
      %get3A_172 = vector.shape_cast %get3A_171 : vector<1x16xf32> to vector<16xf32>
      %mul3A_173 = arith.constant 8.000000e+00 : f32
      %mul3A_174 = vector.broadcast %mul3A_173 : f32 to vector<16xf32>
      %mul3A_175 = arith.mulf %get3A_172, %mul3A_174 : vector<16xf32>
      %swap3A_176 = arith.index_cast %scan3A_133 : i32 to index
      %swap3A_177 = arith.constant 48 : index
      %swap3A_178 = tpu.vector_load %arg10[%swap3A_176, %swap3A_177] {strides = array<i32>} : memref<104x128xf32, #tpu.memory_space<vmem>>, vector<1x16xf32>,
      %swap3A_179 = vector.shape_cast %swap3A_178 : vector<1x16xf32> to vector<16xf32>
      %swap3A_180 = vector.shape_cast %mul3A_175 : vector<16xf32> to vector<1x16xf32>
      tpu.vector_store %arg10[%swap3A_176, %swap3A_177], %swap3A_180 {strides = array<i32>} : memref<104x128xf32, #tpu.memory_space<vmem>>, vector<1x16xf32>,
      %get3A_181 = arith.index_cast %scan3A_133 : i32 to index
      %get3A_182 = arith.constant 64 : index
      %get3A_183 = tpu.vector_load %arg10[%get3A_181, %get3A_182] {strides = array<i32>} : memref<104x128xf32, #tpu.memory_space<vmem>>, vector<1x16xf32>,
      %get3A_184 = vector.shape_cast %get3A_183 : vector<1x16xf32> to vector<16xf32>
      %mul3A_185 = arith.constant 8.000000e+00 : f32
      %mul3A_186 = vector.broadcast %mul3A_185 : f32 to vector<16xf32>
      %mul3A_187 = arith.mulf %get3A_184, %mul3A_186 : vector<16xf32>
      %swap3A_188 = arith.index_cast %scan3A_133 : i32 to index
      %swap3A_189 = arith.constant 64 : index
      %swap3A_190 = tpu.vector_load %arg10[%swap3A_188, %swap3A_189] {strides = array<i32>} : memref<104x128xf32, #tpu.memory_space<vmem>>, vector<1x16xf32>,
      %swap3A_191 = vector.shape_cast %swap3A_190 : vector<1x16xf32> to vector<16xf32>
      %swap3A_192 = vector.shape_cast %mul3A_187 : vector<16xf32> to vector<1x16xf32>
      tpu.vector_store %arg10[%swap3A_188, %swap3A_189], %swap3A_192 {strides = array<i32>} : memref<104x128xf32, #tpu.memory_space<vmem>>, vector<1x16xf32>,
      %get3A_193 = arith.index_cast %scan3A_133 : i32 to index
      %get3A_194 = arith.constant 80 : index
      %get3A_195 = tpu.vector_load %arg10[%get3A_193, %get3A_194] {strides = array<i32>} : memref<104x128xf32, #tpu.memory_space<vmem>>, vector<1x16xf32>,
      %get3A_196 = vector.shape_cast %get3A_195 : vector<1x16xf32> to vector<16xf32>
      %mul3A_197 = arith.constant 8.000000e+00 : f32
      %mul3A_198 = vector.broadcast %mul3A_197 : f32 to vector<16xf32>
      %mul3A_199 = arith.mulf %get3A_196, %mul3A_198 : vector<16xf32>
      %swap3A_200 = arith.index_cast %scan3A_133 : i32 to index
      %swap3A_201 = arith.constant 80 : index
      %swap3A_202 = tpu.vector_load %arg10[%swap3A_200, %swap3A_201] {strides = array<i32>} : memref<104x128xf32, #tpu.memory_space<vmem>>, vector<1x16xf32>,
      %swap3A_203 = vector.shape_cast %swap3A_202 : vector<1x16xf32> to vector<16xf32>
      %swap3A_204 = vector.shape_cast %mul3A_199 : vector<16xf32> to vector<1x16xf32>
      tpu.vector_store %arg10[%swap3A_200, %swap3A_201], %swap3A_204 {strides = array<i32>} : memref<104x128xf32, #tpu.memory_space<vmem>>, vector<1x16xf32>,
      %get3A_205 = arith.index_cast %scan3A_133 : i32 to index
      %get3A_206 = arith.constant 96 : index
      %get3A_207 = tpu.vector_load %arg10[%get3A_205, %get3A_206] {strides = array<i32>} : memref<104x128xf32, #tpu.memory_space<vmem>>, vector<1x16xf32>,
      %get3A_208 = vector.shape_cast %get3A_207 : vector<1x16xf32> to vector<16xf32>
      %mul3A_209 = arith.constant 8.000000e+00 : f32
      %mul3A_210 = vector.broadcast %mul3A_209 : f32 to vector<16xf32>
      %mul3A_211 = arith.mulf %get3A_208, %mul3A_210 : vector<16xf32>
      %swap3A_212 = arith.index_cast %scan3A_133 : i32 to index
      %swap3A_213 = arith.constant 96 : index
      %swap3A_214 = tpu.vector_load %arg10[%swap3A_212, %swap3A_213] {strides = array<i32>} : memref<104x128xf32, #tpu.memory_space<vmem>>, vector<1x16xf32>,
      %swap3A_215 = vector.shape_cast %swap3A_214 : vector<1x16xf32> to vector<16xf32>
      %swap3A_216 = vector.shape_cast %mul3A_211 : vector<16xf32> to vector<1x16xf32>
      tpu.vector_store %arg10[%swap3A_212, %swap3A_213], %swap3A_216 {strides = array<i32>} : memref<104x128xf32, #tpu.memory_space<vmem>>, vector<1x16xf32>,
      %get3A_217 = arith.index_cast %scan3A_133 : i32 to index
      %get3A_218 = arith.constant 112 : index
      %get3A_219 = tpu.vector_load %arg10[%get3A_217, %get3A_218] {strides = array<i32>} : memref<104x128xf32, #tpu.memory_space<vmem>>, vector<1x16xf32>,
      %get3A_220 = vector.shape_cast %get3A_219 : vector<1x16xf32> to vector<16xf32>
      %mul3A_221 = arith.constant 8.000000e+00 : f32
      %mul3A_222 = vector.broadcast %mul3A_221 : f32 to vector<16xf32>
      %mul3A_223 = arith.mulf %get3A_220, %mul3A_222 : vector<16xf32>
      %swap3A_224 = arith.index_cast %scan3A_133 : i32 to index
      %swap3A_225 = arith.constant 112 : index
      %swap3A_226 = tpu.vector_load %arg10[%swap3A_224, %swap3A_225] {strides = array<i32>} : memref<104x128xf32, #tpu.memory_space<vmem>>, vector<1x16xf32>,
      %swap3A_227 = vector.shape_cast %swap3A_226 : vector<1x16xf32> to vector<16xf32>
      %swap3A_228 = vector.shape_cast %mul3A_223 : vector<16xf32> to vector<1x16xf32>
      tpu.vector_store %arg10[%swap3A_224, %swap3A_225], %swap3A_228 {strides = array<i32>} : memref<104x128xf32, #tpu.memory_space<vmem>>, vector<1x16xf32>,
      %scan3A_229 = arith.constant 0 : i32
      scf.yield %scan3A_229 : i32
    }
    %scan3A_10 = arith.constant 96 : i32
    "tpu.region"() ({
      %run_scoped3A = tpu.sem_alloc : memref<!tpu.dma_semaphore, #tpu.memory_space<semaphore_mem>>
      %dma_start3A_133 = arith.constant 0 : i32
      %dma_start3A_134 = arith.constant 0 : i32
      %dma_start3A_135 = tpu.memref_slice %arg10[%dma_start3A_133, %dma_start3A_134] : memref<104x128xf32, #tpu.memory_space<vmem>> -> memref<96x128xf32, #tpu.memory_space<vmem>>
      %dma_start3A_136 = arith.constant 0 : i32
      %dma_start3A_137 = tpu.memref_slice %arg5[%add3A_4, %dma_start3A_136] : memref<4736x128xf32, #tpu.memory_space<vmem_shared>> -> memref<96x128xf32, #tpu.memory_space<vmem_shared>>
      %dma_start3A_138 = arith.constant 0 : i32
      %dma_start3A_139 = tpu.memref_slice %arg5[%add3A_4, %dma_start3A_138] : memref<4736x128xf32, #tpu.memory_space<vmem_shared>> -> memref<96x128xf32, #tpu.memory_space<vmem_shared>>
      %dma_start3A_140 = arith.constant 0 : i32
      %dma_start3A_141 = arith.constant 0 : i32
      %dma_start3A_142 = tpu.memref_slice %arg10[%dma_start3A_140, %dma_start3A_141] : memref<104x128xf32, #tpu.memory_space<vmem>> -> memref<96x128xf32, #tpu.memory_space<vmem>>
      tpu.enqueue_dma source(%dma_start3A_142 : memref<96x128xf32, #tpu.memory_space<vmem>>) target(%dma_start3A_139 : memref<96x128xf32, #tpu.memory_space<vmem_shared>>) target_semaphore(%run_scoped3A : memref<!tpu.dma_semaphore, #tpu.memory_space<semaphore_mem>>)
      %dma_wait3A_143 = arith.constant 0 : i32
      %dma_wait3A_144 = arith.constant 0 : i32
      %dma_wait3A_145 = tpu.memref_slice %arg10[%dma_wait3A_143, %dma_wait3A_144] : memref<104x128xf32, #tpu.memory_space<vmem>> -> memref<96x128xf32, #tpu.memory_space<vmem>>
      %dma_wait3A_146 = arith.constant 0 : i32
      %dma_wait3A_147 = tpu.memref_slice %arg5[%add3A_4, %dma_wait3A_146] : memref<4736x128xf32, #tpu.memory_space<vmem_shared>> -> memref<96x128xf32, #tpu.memory_space<vmem_shared>>
      %dma_wait3A_148 = arith.constant 0 : i32
      %dma_wait3A_149 = tpu.memref_slice %arg5[%add3A_4, %dma_wait3A_148] : memref<4736x128xf32, #tpu.memory_space<vmem_shared>> -> memref<96x128xf32, #tpu.memory_space<vmem_shared>>
      %dma_wait3A_150 = arith.constant 0 : i32
      %dma_wait3A_151 = arith.constant 0 : i32
      %dma_wait3A_152 = tpu.memref_slice %arg10[%dma_wait3A_150, %dma_wait3A_151] : memref<104x128xf32, #tpu.memory_space<vmem>> -> memref<96x128xf32, #tpu.memory_space<vmem>>
      tpu.wait_dma2 semaphore(%run_scoped3A : memref<!tpu.dma_semaphore, #tpu.memory_space<semaphore_mem>>) src(%dma_wait3A_152 : memref<96x128xf32, #tpu.memory_space<vmem>>) dst(%dma_wait3A_149 : memref<96x128xf32, #tpu.memory_space<vmem_shared>>)
      tpu.yield
    }) : () -> ()
    %add3A_11 = arith.constant 96 : i32
    %add3A_12 = arith.addi %mul3A_2, %add3A_11 : i32
    "tpu.region"() ({
      %run_scoped3A = tpu.sem_alloc : memref<!tpu.dma_semaphore, #tpu.memory_space<semaphore_mem>>
      %dma_start3A_133 = arith.constant 0 : i32
      %dma_start3A_134 = arith.constant 0 : i32
      %dma_start3A_135 = tpu.memref_slice %arg10[%dma_start3A_133, %dma_start3A_134] : memref<104x128xf32, #tpu.memory_space<vmem>> -> memref<96x128xf32, #tpu.memory_space<vmem>>
      %dma_start3A_136 = arith.constant 0 : i32
      %dma_start3A_137 = tpu.memref_slice %arg2[%add3A_12, %dma_start3A_136] : memref<4736x128xf32, #tpu.memory_space<hbm>> -> memref<96x128xf32, #tpu.memory_space<hbm>>
      %dma_start3A_138 = arith.constant 0 : i32
      %dma_start3A_139 = arith.constant 0 : i32
      %dma_start3A_140 = tpu.memref_slice %arg10[%dma_start3A_138, %dma_start3A_139] : memref<104x128xf32, #tpu.memory_space<vmem>> -> memref<96x128xf32, #tpu.memory_space<vmem>>
      %dma_start3A_141 = arith.constant 0 : i32
      %dma_start3A_142 = tpu.memref_slice %arg2[%add3A_12, %dma_start3A_141] : memref<4736x128xf32, #tpu.memory_space<hbm>> -> memref<96x128xf32, #tpu.memory_space<hbm>>
      tpu.enqueue_dma source(%dma_start3A_142 : memref<96x128xf32, #tpu.memory_space<hbm>>) target(%dma_start3A_140 : memref<96x128xf32, #tpu.memory_space<vmem>>) target_semaphore(%run_scoped3A : memref<!tpu.dma_semaphore, #tpu.memory_space<semaphore_mem>>)
      %dma_wait3A_143 = arith.constant 0 : i32
      %dma_wait3A_144 = arith.constant 0 : i32
      %dma_wait3A_145 = tpu.memref_slice %arg10[%dma_wait3A_143, %dma_wait3A_144] : memref<104x128xf32, #tpu.memory_space<vmem>> -> memref<96x128xf32, #tpu.memory_space<vmem>>
      %dma_wait3A_146 = arith.constant 0 : i32
      %dma_wait3A_147 = tpu.memref_slice %arg2[%add3A_12, %dma_wait3A_146] : memref<4736x128xf32, #tpu.memory_space<hbm>> -> memref<96x128xf32, #tpu.memory_space<hbm>>
      %dma_wait3A_148 = arith.constant 0 : i32
      %dma_wait3A_149 = arith.constant 0 : i32
      %dma_wait3A_150 = tpu.memref_slice %arg10[%dma_wait3A_148, %dma_wait3A_149] : memref<104x128xf32, #tpu.memory_space<vmem>> -> memref<96x128xf32, #tpu.memory_space<vmem>>
      %dma_wait3A_151 = arith.constant 0 : i32
      %dma_wait3A_152 = tpu.memref_slice %arg2[%add3A_12, %dma_wait3A_151] : memref<4736x128xf32, #tpu.memory_space<hbm>> -> memref<96x128xf32, #tpu.memory_space<hbm>>
      tpu.wait_dma2 semaphore(%run_scoped3A : memref<!tpu.dma_semaphore, #tpu.memory_space<semaphore_mem>>) src(%dma_wait3A_152 : memref<96x128xf32, #tpu.memory_space<hbm>>) dst(%dma_wait3A_150 : memref<96x128xf32, #tpu.memory_space<vmem>>)
      tpu.yield
    }) : () -> ()
    %scan3A_13 = arith.constant 0 : i32
    %scan3A_14 = arith.constant 0 : i32
    %scan3A_15 = arith.constant 96 : i32
    %scan3A_16 = arith.addi %scan3A_14, %scan3A_15 : i32
    %scan3A_17 = arith.constant 1 : i32
    %scan3A_18 = scf.for %scan3A_133 = %scan3A_14 to %scan3A_16 step %scan3A_17 iter_args(%scan3A_134 = %scan3A_13) -> (i32)  : i32 {
      %get3A = arith.index_cast %scan3A_133 : i32 to index
      %get3A_135 = arith.constant 0 : index
      %get3A_136 = tpu.vector_load %arg10[%get3A, %get3A_135] {strides = array<i32>} : memref<104x128xf32, #tpu.memory_space<vmem>>, vector<1x16xf32>,
      %get3A_137 = vector.shape_cast %get3A_136 : vector<1x16xf32> to vector<16xf32>
      %mul3A_138 = arith.constant 8.000000e+00 : f32
      %mul3A_139 = vector.broadcast %mul3A_138 : f32 to vector<16xf32>
      %mul3A_140 = arith.mulf %get3A_137, %mul3A_139 : vector<16xf32>
      %swap3A = arith.index_cast %scan3A_133 : i32 to index
      %swap3A_141 = arith.constant 0 : index
      %swap3A_142 = tpu.vector_load %arg10[%swap3A, %swap3A_141] {strides = array<i32>} : memref<104x128xf32, #tpu.memory_space<vmem>>, vector<1x16xf32>,
      %swap3A_143 = vector.shape_cast %swap3A_142 : vector<1x16xf32> to vector<16xf32>
      %swap3A_144 = vector.shape_cast %mul3A_140 : vector<16xf32> to vector<1x16xf32>
      tpu.vector_store %arg10[%swap3A, %swap3A_141], %swap3A_144 {strides = array<i32>} : memref<104x128xf32, #tpu.memory_space<vmem>>, vector<1x16xf32>,
      %get3A_145 = arith.index_cast %scan3A_133 : i32 to index
      %get3A_146 = arith.constant 16 : index
      %get3A_147 = tpu.vector_load %arg10[%get3A_145, %get3A_146] {strides = array<i32>} : memref<104x128xf32, #tpu.memory_space<vmem>>, vector<1x16xf32>,
      %get3A_148 = vector.shape_cast %get3A_147 : vector<1x16xf32> to vector<16xf32>
      %mul3A_149 = arith.constant 8.000000e+00 : f32
      %mul3A_150 = vector.broadcast %mul3A_149 : f32 to vector<16xf32>
      %mul3A_151 = arith.mulf %get3A_148, %mul3A_150 : vector<16xf32>
      %swap3A_152 = arith.index_cast %scan3A_133 : i32 to index
      %swap3A_153 = arith.constant 16 : index
      %swap3A_154 = tpu.vector_load %arg10[%swap3A_152, %swap3A_153] {strides = array<i32>} : memref<104x128xf32, #tpu.memory_space<vmem>>, vector<1x16xf32>,
      %swap3A_155 = vector.shape_cast %swap3A_154 : vector<1x16xf32> to vector<16xf32>
      %swap3A_156 = vector.shape_cast %mul3A_151 : vector<16xf32> to vector<1x16xf32>
      tpu.vector_store %arg10[%swap3A_152, %swap3A_153], %swap3A_156 {strides = array<i32>} : memref<104x128xf32, #tpu.memory_space<vmem>>, vector<1x16xf32>,
      %get3A_157 = arith.index_cast %scan3A_133 : i32 to index
      %get3A_158 = arith.constant 32 : index
      %get3A_159 = tpu.vector_load %arg10[%get3A_157, %get3A_158] {strides = array<i32>} : memref<104x128xf32, #tpu.memory_space<vmem>>, vector<1x16xf32>,
      %get3A_160 = vector.shape_cast %get3A_159 : vector<1x16xf32> to vector<16xf32>
      %mul3A_161 = arith.constant 8.000000e+00 : f32
      %mul3A_162 = vector.broadcast %mul3A_161 : f32 to vector<16xf32>
      %mul3A_163 = arith.mulf %get3A_160, %mul3A_162 : vector<16xf32>
      %swap3A_164 = arith.index_cast %scan3A_133 : i32 to index
      %swap3A_165 = arith.constant 32 : index
      %swap3A_166 = tpu.vector_load %arg10[%swap3A_164, %swap3A_165] {strides = array<i32>} : memref<104x128xf32, #tpu.memory_space<vmem>>, vector<1x16xf32>,
      %swap3A_167 = vector.shape_cast %swap3A_166 : vector<1x16xf32> to vector<16xf32>
      %swap3A_168 = vector.shape_cast %mul3A_163 : vector<16xf32> to vector<1x16xf32>
      tpu.vector_store %arg10[%swap3A_164, %swap3A_165], %swap3A_168 {strides = array<i32>} : memref<104x128xf32, #tpu.memory_space<vmem>>, vector<1x16xf32>,
      %get3A_169 = arith.index_cast %scan3A_133 : i32 to index
      %get3A_170 = arith.constant 48 : index
      %get3A_171 = tpu.vector_load %arg10[%get3A_169, %get3A_170] {strides = array<i32>} : memref<104x128xf32, #tpu.memory_space<vmem>>, vector<1x16xf32>,
      %get3A_172 = vector.shape_cast %get3A_171 : vector<1x16xf32> to vector<16xf32>
      %mul3A_173 = arith.constant 8.000000e+00 : f32
      %mul3A_174 = vector.broadcast %mul3A_173 : f32 to vector<16xf32>
      %mul3A_175 = arith.mulf %get3A_172, %mul3A_174 : vector<16xf32>
      %swap3A_176 = arith.index_cast %scan3A_133 : i32 to index
      %swap3A_177 = arith.constant 48 : index
      %swap3A_178 = tpu.vector_load %arg10[%swap3A_176, %swap3A_177] {strides = array<i32>} : memref<104x128xf32, #tpu.memory_space<vmem>>, vector<1x16xf32>,
      %swap3A_179 = vector.shape_cast %swap3A_178 : vector<1x16xf32> to vector<16xf32>
      %swap3A_180 = vector.shape_cast %mul3A_175 : vector<16xf32> to vector<1x16xf32>
      tpu.vector_store %arg10[%swap3A_176, %swap3A_177], %swap3A_180 {strides = array<i32>} : memref<104x128xf32, #tpu.memory_space<vmem>>, vector<1x16xf32>,
      %get3A_181 = arith.index_cast %scan3A_133 : i32 to index
      %get3A_182 = arith.constant 64 : index
      %get3A_183 = tpu.vector_load %arg10[%get3A_181, %get3A_182] {strides = array<i32>} : memref<104x128xf32, #tpu.memory_space<vmem>>, vector<1x16xf32>,
      %get3A_184 = vector.shape_cast %get3A_183 : vector<1x16xf32> to vector<16xf32>
      %mul3A_185 = arith.constant 8.000000e+00 : f32
      %mul3A_186 = vector.broadcast %mul3A_185 : f32 to vector<16xf32>
      %mul3A_187 = arith.mulf %get3A_184, %mul3A_186 : vector<16xf32>
      %swap3A_188 = arith.index_cast %scan3A_133 : i32 to index
      %swap3A_189 = arith.constant 64 : index
      %swap3A_190 = tpu.vector_load %arg10[%swap3A_188, %swap3A_189] {strides = array<i32>} : memref<104x128xf32, #tpu.memory_space<vmem>>, vector<1x16xf32>,
      %swap3A_191 = vector.shape_cast %swap3A_190 : vector<1x16xf32> to vector<16xf32>
      %swap3A_192 = vector.shape_cast %mul3A_187 : vector<16xf32> to vector<1x16xf32>
      tpu.vector_store %arg10[%swap3A_188, %swap3A_189], %swap3A_192 {strides = array<i32>} : memref<104x128xf32, #tpu.memory_space<vmem>>, vector<1x16xf32>,
      %get3A_193 = arith.index_cast %scan3A_133 : i32 to index
      %get3A_194 = arith.constant 80 : index
      %get3A_195 = tpu.vector_load %arg10[%get3A_193, %get3A_194] {strides = array<i32>} : memref<104x128xf32, #tpu.memory_space<vmem>>, vector<1x16xf32>,
      %get3A_196 = vector.shape_cast %get3A_195 : vector<1x16xf32> to vector<16xf32>
      %mul3A_197 = arith.constant 8.000000e+00 : f32
      %mul3A_198 = vector.broadcast %mul3A_197 : f32 to vector<16xf32>
      %mul3A_199 = arith.mulf %get3A_196, %mul3A_198 : vector<16xf32>
      %swap3A_200 = arith.index_cast %scan3A_133 : i32 to index
      %swap3A_201 = arith.constant 80 : index
      %swap3A_202 = tpu.vector_load %arg10[%swap3A_200, %swap3A_201] {strides = array<i32>} : memref<104x128xf32, #tpu.memory_space<vmem>>, vector<1x16xf32>,
      %swap3A_203 = vector.shape_cast %swap3A_202 : vector<1x16xf32> to vector<16xf32>
      %swap3A_204 = vector.shape_cast %mul3A_199 : vector<16xf32> to vector<1x16xf32>
      tpu.vector_store %arg10[%swap3A_200, %swap3A_201], %swap3A_204 {strides = array<i32>} : memref<104x128xf32, #tpu.memory_space<vmem>>, vector<1x16xf32>,
      %get3A_205 = arith.index_cast %scan3A_133 : i32 to index
      %get3A_206 = arith.constant 96 : index
      %get3A_207 = tpu.vector_load %arg10[%get3A_205, %get3A_206] {strides = array<i32>} : memref<104x128xf32, #tpu.memory_space<vmem>>, vector<1x16xf32>,
      %get3A_208 = vector.shape_cast %get3A_207 : vector<1x16xf32> to vector<16xf32>
      %mul3A_209 = arith.constant 8.000000e+00 : f32
      %mul3A_210 = vector.broadcast %mul3A_209 : f32 to vector<16xf32>
      %mul3A_211 = arith.mulf %get3A_208, %mul3A_210 : vector<16xf32>
      %swap3A_212 = arith.index_cast %scan3A_133 : i32 to index
      %swap3A_213 = arith.constant 96 : index
      %swap3A_214 = tpu.vector_load %arg10[%swap3A_212, %swap3A_213] {strides = array<i32>} : memref<104x128xf32, #tpu.memory_space<vmem>>, vector<1x16xf32>,
      %swap3A_215 = vector.shape_cast %swap3A_214 : vector<1x16xf32> to vector<16xf32>
      %swap3A_216 = vector.shape_cast %mul3A_211 : vector<16xf32> to vector<1x16xf32>
      tpu.vector_store %arg10[%swap3A_212, %swap3A_213], %swap3A_216 {strides = array<i32>} : memref<104x128xf32, #tpu.memory_space<vmem>>, vector<1x16xf32>,
      %get3A_217 = arith.index_cast %scan3A_133 : i32 to index
      %get3A_218 = arith.constant 112 : index
      %get3A_219 = tpu.vector_load %arg10[%get3A_217, %get3A_218] {strides = array<i32>} : memref<104x128xf32, #tpu.memory_space<vmem>>, vector<1x16xf32>,
      %get3A_220 = vector.shape_cast %get3A_219 : vector<1x16xf32> to vector<16xf32>
      %mul3A_221 = arith.constant 8.000000e+00 : f32
      %mul3A_222 = vector.broadcast %mul3A_221 : f32 to vector<16xf32>
      %mul3A_223 = arith.mulf %get3A_220, %mul3A_222 : vector<16xf32>
      %swap3A_224 = arith.index_cast %scan3A_133 : i32 to index
      %swap3A_225 = arith.constant 112 : index
      %swap3A_226 = tpu.vector_load %arg10[%swap3A_224, %swap3A_225] {strides = array<i32>} : memref<104x128xf32, #tpu.memory_space<vmem>>, vector<1x16xf32>,
      %swap3A_227 = vector.shape_cast %swap3A_226 : vector<1x16xf32> to vector<16xf32>
      %swap3A_228 = vector.shape_cast %mul3A_223 : vector<16xf32> to vector<1x16xf32>
      tpu.vector_store %arg10[%swap3A_224, %swap3A_225], %swap3A_228 {strides = array<i32>} : memref<104x128xf32, #tpu.memory_space<vmem>>, vector<1x16xf32>,
      %scan3A_229 = arith.constant 0 : i32
      scf.yield %scan3A_229 : i32
    }
    %scan3A_19 = arith.constant 96 : i32
    "tpu.region"() ({
      %run_scoped3A = tpu.sem_alloc : memref<!tpu.dma_semaphore, #tpu.memory_space<semaphore_mem>>
      %dma_start3A_133 = arith.constant 0 : i32
      %dma_start3A_134 = arith.constant 0 : i32
      %dma_start3A_135 = tpu.memref_slice %arg10[%dma_start3A_133, %dma_start3A_134] : memref<104x128xf32, #tpu.memory_space<vmem>> -> memref<96x128xf32, #tpu.memory_space<vmem>>
      %dma_start3A_136 = arith.constant 0 : i32
      %dma_start3A_137 = tpu.memref_slice %arg5[%add3A_12, %dma_start3A_136] : memref<4736x128xf32, #tpu.memory_space<vmem_shared>> -> memref<96x128xf32, #tpu.memory_space<vmem_shared>>
      %dma_start3A_138 = arith.constant 0 : i32
      %dma_start3A_139 = tpu.memref_slice %arg5[%add3A_12, %dma_start3A_138] : memref<4736x128xf32, #tpu.memory_space<vmem_shared>> -> memref<96x128xf32, #tpu.memory_space<vmem_shared>>
      %dma_start3A_140 = arith.constant 0 : i32
      %dma_start3A_141 = arith.constant 0 : i32
      %dma_start3A_142 = tpu.memref_slice %arg10[%dma_start3A_140, %dma_start3A_141] : memref<104x128xf32, #tpu.memory_space<vmem>> -> memref<96x128xf32, #tpu.memory_space<vmem>>
      tpu.enqueue_dma source(%dma_start3A_142 : memref<96x128xf32, #tpu.memory_space<vmem>>) target(%dma_start3A_139 : memref<96x128xf32, #tpu.memory_space<vmem_shared>>) target_semaphore(%run_scoped3A : memref<!tpu.dma_semaphore, #tpu.memory_space<semaphore_mem>>)
      %dma_wait3A_143 = arith.constant 0 : i32
      %dma_wait3A_144 = arith.constant 0 : i32
      %dma_wait3A_145 = tpu.memref_slice %arg10[%dma_wait3A_143, %dma_wait3A_144] : memref<104x128xf32, #tpu.memory_space<vmem>> -> memref<96x128xf32, #tpu.memory_space<vmem>>
      %dma_wait3A_146 = arith.constant 0 : i32
      %dma_wait3A_147 = tpu.memref_slice %arg5[%add3A_12, %dma_wait3A_146] : memref<4736x128xf32, #tpu.memory_space<vmem_shared>> -> memref<96x128xf32, #tpu.memory_space<vmem_shared>>
      %dma_wait3A_148 = arith.constant 0 : i32
      %dma_wait3A_149 = tpu.memref_slice %arg5[%add3A_12, %dma_wait3A_148] : memref<4736x128xf32, #tpu.memory_space<vmem_shared>> -> memref<96x128xf32, #tpu.memory_space<vmem_shared>>
      %dma_wait3A_150 = arith.constant 0 : i32
      %dma_wait3A_151 = arith.constant 0 : i32
      %dma_wait3A_152 = tpu.memref_slice %arg10[%dma_wait3A_150, %dma_wait3A_151] : memref<104x128xf32, #tpu.memory_space<vmem>> -> memref<96x128xf32, #tpu.memory_space<vmem>>
      tpu.wait_dma2 semaphore(%run_scoped3A : memref<!tpu.dma_semaphore, #tpu.memory_space<semaphore_mem>>) src(%dma_wait3A_152 : memref<96x128xf32, #tpu.memory_space<vmem>>) dst(%dma_wait3A_149 : memref<96x128xf32, #tpu.memory_space<vmem_shared>>)
      tpu.yield
    }) : () -> ()
    %add3A_20 = arith.constant 192 : i32
    %add3A_21 = arith.addi %mul3A_2, %add3A_20 : i32
    "tpu.region"() ({
      %run_scoped3A = tpu.sem_alloc : memref<!tpu.dma_semaphore, #tpu.memory_space<semaphore_mem>>
      %dma_start3A_133 = arith.constant 0 : i32
      %dma_start3A_134 = arith.constant 0 : i32
      %dma_start3A_135 = tpu.memref_slice %arg10[%dma_start3A_133, %dma_start3A_134] : memref<104x128xf32, #tpu.memory_space<vmem>> -> memref<104x128xf32, #tpu.memory_space<vmem>>
      %dma_start3A_136 = arith.constant 0 : i32
      %dma_start3A_137 = tpu.memref_slice %arg2[%add3A_21, %dma_start3A_136] : memref<4736x128xf32, #tpu.memory_space<hbm>> -> memref<104x128xf32, #tpu.memory_space<hbm>>
      %dma_start3A_138 = arith.constant 0 : i32
      %dma_start3A_139 = arith.constant 0 : i32
      %dma_start3A_140 = tpu.memref_slice %arg10[%dma_start3A_138, %dma_start3A_139] : memref<104x128xf32, #tpu.memory_space<vmem>> -> memref<104x128xf32, #tpu.memory_space<vmem>>
      %dma_start3A_141 = arith.constant 0 : i32
      %dma_start3A_142 = tpu.memref_slice %arg2[%add3A_21, %dma_start3A_141] : memref<4736x128xf32, #tpu.memory_space<hbm>> -> memref<104x128xf32, #tpu.memory_space<hbm>>
      tpu.enqueue_dma source(%dma_start3A_142 : memref<104x128xf32, #tpu.memory_space<hbm>>) target(%dma_start3A_140 : memref<104x128xf32, #tpu.memory_space<vmem>>) target_semaphore(%run_scoped3A : memref<!tpu.dma_semaphore, #tpu.memory_space<semaphore_mem>>)
      %dma_wait3A_143 = arith.constant 0 : i32
      %dma_wait3A_144 = arith.constant 0 : i32
      %dma_wait3A_145 = tpu.memref_slice %arg10[%dma_wait3A_143, %dma_wait3A_144] : memref<104x128xf32, #tpu.memory_space<vmem>> -> memref<104x128xf32, #tpu.memory_space<vmem>>
      %dma_wait3A_146 = arith.constant 0 : i32
      %dma_wait3A_147 = tpu.memref_slice %arg2[%add3A_21, %dma_wait3A_146] : memref<4736x128xf32, #tpu.memory_space<hbm>> -> memref<104x128xf32, #tpu.memory_space<hbm>>
      %dma_wait3A_148 = arith.constant 0 : i32
      %dma_wait3A_149 = arith.constant 0 : i32
      %dma_wait3A_150 = tpu.memref_slice %arg10[%dma_wait3A_148, %dma_wait3A_149] : memref<104x128xf32, #tpu.memory_space<vmem>> -> memref<104x128xf32, #tpu.memory_space<vmem>>
      %dma_wait3A_151 = arith.constant 0 : i32
      %dma_wait3A_152 = tpu.memref_slice %arg2[%add3A_21, %dma_wait3A_151] : memref<4736x128xf32, #tpu.memory_space<hbm>> -> memref<104x128xf32, #tpu.memory_space<hbm>>
      tpu.wait_dma2 semaphore(%run_scoped3A : memref<!tpu.dma_semaphore, #tpu.memory_space<semaphore_mem>>) src(%dma_wait3A_152 : memref<104x128xf32, #tpu.memory_space<hbm>>) dst(%dma_wait3A_150 : memref<104x128xf32, #tpu.memory_space<vmem>>)
      tpu.yield
    }) : () -> ()
    %scan3A_22 = arith.constant 0 : i32
    %scan3A_23 = arith.constant 0 : i32
    %scan3A_24 = arith.constant 104 : i32
    %scan3A_25 = arith.addi %scan3A_23, %scan3A_24 : i32
    %scan3A_26 = arith.constant 1 : i32
    %scan3A_27 = scf.for %scan3A_133 = %scan3A_23 to %scan3A_25 step %scan3A_26 iter_args(%scan3A_134 = %scan3A_22) -> (i32)  : i32 {
      %get3A = arith.index_cast %scan3A_133 : i32 to index
      %get3A_135 = arith.constant 0 : index
      %get3A_136 = tpu.vector_load %arg10[%get3A, %get3A_135] {strides = array<i32>} : memref<104x128xf32, #tpu.memory_space<vmem>>, vector<1x16xf32>,
      %get3A_137 = vector.shape_cast %get3A_136 : vector<1x16xf32> to vector<16xf32>
      %mul3A_138 = arith.constant 8.000000e+00 : f32
      %mul3A_139 = vector.broadcast %mul3A_138 : f32 to vector<16xf32>
      %mul3A_140 = arith.mulf %get3A_137, %mul3A_139 : vector<16xf32>
      %swap3A = arith.index_cast %scan3A_133 : i32 to index
      %swap3A_141 = arith.constant 0 : index
      %swap3A_142 = tpu.vector_load %arg10[%swap3A, %swap3A_141] {strides = array<i32>} : memref<104x128xf32, #tpu.memory_space<vmem>>, vector<1x16xf32>,
      %swap3A_143 = vector.shape_cast %swap3A_142 : vector<1x16xf32> to vector<16xf32>
      %swap3A_144 = vector.shape_cast %mul3A_140 : vector<16xf32> to vector<1x16xf32>
      tpu.vector_store %arg10[%swap3A, %swap3A_141], %swap3A_144 {strides = array<i32>} : memref<104x128xf32, #tpu.memory_space<vmem>>, vector<1x16xf32>,
      %get3A_145 = arith.index_cast %scan3A_133 : i32 to index
      %get3A_146 = arith.constant 16 : index
      %get3A_147 = tpu.vector_load %arg10[%get3A_145, %get3A_146] {strides = array<i32>} : memref<104x128xf32, #tpu.memory_space<vmem>>, vector<1x16xf32>,
      %get3A_148 = vector.shape_cast %get3A_147 : vector<1x16xf32> to vector<16xf32>
      %mul3A_149 = arith.constant 8.000000e+00 : f32
      %mul3A_150 = vector.broadcast %mul3A_149 : f32 to vector<16xf32>
      %mul3A_151 = arith.mulf %get3A_148, %mul3A_150 : vector<16xf32>
      %swap3A_152 = arith.index_cast %scan3A_133 : i32 to index
      %swap3A_153 = arith.constant 16 : index
      %swap3A_154 = tpu.vector_load %arg10[%swap3A_152, %swap3A_153] {strides = array<i32>} : memref<104x128xf32, #tpu.memory_space<vmem>>, vector<1x16xf32>,
      %swap3A_155 = vector.shape_cast %swap3A_154 : vector<1x16xf32> to vector<16xf32>
      %swap3A_156 = vector.shape_cast %mul3A_151 : vector<16xf32> to vector<1x16xf32>
      tpu.vector_store %arg10[%swap3A_152, %swap3A_153], %swap3A_156 {strides = array<i32>} : memref<104x128xf32, #tpu.memory_space<vmem>>, vector<1x16xf32>,
      %get3A_157 = arith.index_cast %scan3A_133 : i32 to index
      %get3A_158 = arith.constant 32 : index
      %get3A_159 = tpu.vector_load %arg10[%get3A_157, %get3A_158] {strides = array<i32>} : memref<104x128xf32, #tpu.memory_space<vmem>>, vector<1x16xf32>,
      %get3A_160 = vector.shape_cast %get3A_159 : vector<1x16xf32> to vector<16xf32>
      %mul3A_161 = arith.constant 8.000000e+00 : f32
      %mul3A_162 = vector.broadcast %mul3A_161 : f32 to vector<16xf32>
      %mul3A_163 = arith.mulf %get3A_160, %mul3A_162 : vector<16xf32>
      %swap3A_164 = arith.index_cast %scan3A_133 : i32 to index
      %swap3A_165 = arith.constant 32 : index
      %swap3A_166 = tpu.vector_load %arg10[%swap3A_164, %swap3A_165] {strides = array<i32>} : memref<104x128xf32, #tpu.memory_space<vmem>>, vector<1x16xf32>,
      %swap3A_167 = vector.shape_cast %swap3A_166 : vector<1x16xf32> to vector<16xf32>
      %swap3A_168 = vector.shape_cast %mul3A_163 : vector<16xf32> to vector<1x16xf32>
      tpu.vector_store %arg10[%swap3A_164, %swap3A_165], %swap3A_168 {strides = array<i32>} : memref<104x128xf32, #tpu.memory_space<vmem>>, vector<1x16xf32>,
      %get3A_169 = arith.index_cast %scan3A_133 : i32 to index
      %get3A_170 = arith.constant 48 : index
      %get3A_171 = tpu.vector_load %arg10[%get3A_169, %get3A_170] {strides = array<i32>} : memref<104x128xf32, #tpu.memory_space<vmem>>, vector<1x16xf32>,
      %get3A_172 = vector.shape_cast %get3A_171 : vector<1x16xf32> to vector<16xf32>
      %mul3A_173 = arith.constant 8.000000e+00 : f32
      %mul3A_174 = vector.broadcast %mul3A_173 : f32 to vector<16xf32>
      %mul3A_175 = arith.mulf %get3A_172, %mul3A_174 : vector<16xf32>
      %swap3A_176 = arith.index_cast %scan3A_133 : i32 to index
      %swap3A_177 = arith.constant 48 : index
      %swap3A_178 = tpu.vector_load %arg10[%swap3A_176, %swap3A_177] {strides = array<i32>} : memref<104x128xf32, #tpu.memory_space<vmem>>, vector<1x16xf32>,
      %swap3A_179 = vector.shape_cast %swap3A_178 : vector<1x16xf32> to vector<16xf32>
      %swap3A_180 = vector.shape_cast %mul3A_175 : vector<16xf32> to vector<1x16xf32>
      tpu.vector_store %arg10[%swap3A_176, %swap3A_177], %swap3A_180 {strides = array<i32>} : memref<104x128xf32, #tpu.memory_space<vmem>>, vector<1x16xf32>,
      %get3A_181 = arith.index_cast %scan3A_133 : i32 to index
      %get3A_182 = arith.constant 64 : index
      %get3A_183 = tpu.vector_load %arg10[%get3A_181, %get3A_182] {strides = array<i32>} : memref<104x128xf32, #tpu.memory_space<vmem>>, vector<1x16xf32>,
      %get3A_184 = vector.shape_cast %get3A_183 : vector<1x16xf32> to vector<16xf32>
      %mul3A_185 = arith.constant 8.000000e+00 : f32
      %mul3A_186 = vector.broadcast %mul3A_185 : f32 to vector<16xf32>
      %mul3A_187 = arith.mulf %get3A_184, %mul3A_186 : vector<16xf32>
      %swap3A_188 = arith.index_cast %scan3A_133 : i32 to index
      %swap3A_189 = arith.constant 64 : index
      %swap3A_190 = tpu.vector_load %arg10[%swap3A_188, %swap3A_189] {strides = array<i32>} : memref<104x128xf32, #tpu.memory_space<vmem>>, vector<1x16xf32>,
      %swap3A_191 = vector.shape_cast %swap3A_190 : vector<1x16xf32> to vector<16xf32>
      %swap3A_192 = vector.shape_cast %mul3A_187 : vector<16xf32> to vector<1x16xf32>
      tpu.vector_store %arg10[%swap3A_188, %swap3A_189], %swap3A_192 {strides = array<i32>} : memref<104x128xf32, #tpu.memory_space<vmem>>, vector<1x16xf32>,
      %get3A_193 = arith.index_cast %scan3A_133 : i32 to index
      %get3A_194 = arith.constant 80 : index
      %get3A_195 = tpu.vector_load %arg10[%get3A_193, %get3A_194] {strides = array<i32>} : memref<104x128xf32, #tpu.memory_space<vmem>>, vector<1x16xf32>,
      %get3A_196 = vector.shape_cast %get3A_195 : vector<1x16xf32> to vector<16xf32>
      %mul3A_197 = arith.constant 8.000000e+00 : f32
      %mul3A_198 = vector.broadcast %mul3A_197 : f32 to vector<16xf32>
      %mul3A_199 = arith.mulf %get3A_196, %mul3A_198 : vector<16xf32>
      %swap3A_200 = arith.index_cast %scan3A_133 : i32 to index
      %swap3A_201 = arith.constant 80 : index
      %swap3A_202 = tpu.vector_load %arg10[%swap3A_200, %swap3A_201] {strides = array<i32>} : memref<104x128xf32, #tpu.memory_space<vmem>>, vector<1x16xf32>,
      %swap3A_203 = vector.shape_cast %swap3A_202 : vector<1x16xf32> to vector<16xf32>
      %swap3A_204 = vector.shape_cast %mul3A_199 : vector<16xf32> to vector<1x16xf32>
      tpu.vector_store %arg10[%swap3A_200, %swap3A_201], %swap3A_204 {strides = array<i32>} : memref<104x128xf32, #tpu.memory_space<vmem>>, vector<1x16xf32>,
      %get3A_205 = arith.index_cast %scan3A_133 : i32 to index
      %get3A_206 = arith.constant 96 : index
      %get3A_207 = tpu.vector_load %arg10[%get3A_205, %get3A_206] {strides = array<i32>} : memref<104x128xf32, #tpu.memory_space<vmem>>, vector<1x16xf32>,
      %get3A_208 = vector.shape_cast %get3A_207 : vector<1x16xf32> to vector<16xf32>
      %mul3A_209 = arith.constant 8.000000e+00 : f32
      %mul3A_210 = vector.broadcast %mul3A_209 : f32 to vector<16xf32>
      %mul3A_211 = arith.mulf %get3A_208, %mul3A_210 : vector<16xf32>
      %swap3A_212 = arith.index_cast %scan3A_133 : i32 to index
      %swap3A_213 = arith.constant 96 : index
      %swap3A_214 = tpu.vector_load %arg10[%swap3A_212, %swap3A_213] {strides = array<i32>} : memref<104x128xf32, #tpu.memory_space<vmem>>, vector<1x16xf32>,
      %swap3A_215 = vector.shape_cast %swap3A_214 : vector<1x16xf32> to vector<16xf32>
      %swap3A_216 = vector.shape_cast %mul3A_211 : vector<16xf32> to vector<1x16xf32>
      tpu.vector_store %arg10[%swap3A_212, %swap3A_213], %swap3A_216 {strides = array<i32>} : memref<104x128xf32, #tpu.memory_space<vmem>>, vector<1x16xf32>,
      %get3A_217 = arith.index_cast %scan3A_133 : i32 to index
      %get3A_218 = arith.constant 112 : index
      %get3A_219 = tpu.vector_load %arg10[%get3A_217, %get3A_218] {strides = array<i32>} : memref<104x128xf32, #tpu.memory_space<vmem>>, vector<1x16xf32>,
      %get3A_220 = vector.shape_cast %get3A_219 : vector<1x16xf32> to vector<16xf32>
      %mul3A_221 = arith.constant 8.000000e+00 : f32
      %mul3A_222 = vector.broadcast %mul3A_221 : f32 to vector<16xf32>
      %mul3A_223 = arith.mulf %get3A_220, %mul3A_222 : vector<16xf32>
      %swap3A_224 = arith.index_cast %scan3A_133 : i32 to index
      %swap3A_225 = arith.constant 112 : index
      %swap3A_226 = tpu.vector_load %arg10[%swap3A_224, %swap3A_225] {strides = array<i32>} : memref<104x128xf32, #tpu.memory_space<vmem>>, vector<1x16xf32>,
      %swap3A_227 = vector.shape_cast %swap3A_226 : vector<1x16xf32> to vector<16xf32>
      %swap3A_228 = vector.shape_cast %mul3A_223 : vector<16xf32> to vector<1x16xf32>
      tpu.vector_store %arg10[%swap3A_224, %swap3A_225], %swap3A_228 {strides = array<i32>} : memref<104x128xf32, #tpu.memory_space<vmem>>, vector<1x16xf32>,
      %scan3A_229 = arith.constant 0 : i32
      scf.yield %scan3A_229 : i32
    }
    %scan3A_28 = arith.constant 104 : i32
    "tpu.region"() ({
      %run_scoped3A = tpu.sem_alloc : memref<!tpu.dma_semaphore, #tpu.memory_space<semaphore_mem>>
      %dma_start3A_133 = arith.constant 0 : i32
      %dma_start3A_134 = arith.constant 0 : i32
      %dma_start3A_135 = tpu.memref_slice %arg10[%dma_start3A_133, %dma_start3A_134] : memref<104x128xf32, #tpu.memory_space<vmem>> -> memref<104x128xf32, #tpu.memory_space<vmem>>
      %dma_start3A_136 = arith.constant 0 : i32
      %dma_start3A_137 = tpu.memref_slice %arg5[%add3A_21, %dma_start3A_136] : memref<4736x128xf32, #tpu.memory_space<vmem_shared>> -> memref<104x128xf32, #tpu.memory_space<vmem_shared>>
      %dma_start3A_138 = arith.constant 0 : i32
      %dma_start3A_139 = tpu.memref_slice %arg5[%add3A_21, %dma_start3A_138] : memref<4736x128xf32, #tpu.memory_space<vmem_shared>> -> memref<104x128xf32, #tpu.memory_space<vmem_shared>>
      %dma_start3A_140 = arith.constant 0 : i32
      %dma_start3A_141 = arith.constant 0 : i32
      %dma_start3A_142 = tpu.memref_slice %arg10[%dma_start3A_140, %dma_start3A_141] : memref<104x128xf32, #tpu.memory_space<vmem>> -> memref<104x128xf32, #tpu.memory_space<vmem>>
      tpu.enqueue_dma source(%dma_start3A_142 : memref<104x128xf32, #tpu.memory_space<vmem>>) target(%dma_start3A_139 : memref<104x128xf32, #tpu.memory_space<vmem_shared>>) target_semaphore(%run_scoped3A : memref<!tpu.dma_semaphore, #tpu.memory_space<semaphore_mem>>)
      %dma_wait3A_143 = arith.constant 0 : i32
      %dma_wait3A_144 = arith.constant 0 : i32
      %dma_wait3A_145 = tpu.memref_slice %arg10[%dma_wait3A_143, %dma_wait3A_144] : memref<104x128xf32, #tpu.memory_space<vmem>> -> memref<104x128xf32, #tpu.memory_space<vmem>>
      %dma_wait3A_146 = arith.constant 0 : i32
      %dma_wait3A_147 = tpu.memref_slice %arg5[%add3A_21, %dma_wait3A_146] : memref<4736x128xf32, #tpu.memory_space<vmem_shared>> -> memref<104x128xf32, #tpu.memory_space<vmem_shared>>
      %dma_wait3A_148 = arith.constant 0 : i32
      %dma_wait3A_149 = tpu.memref_slice %arg5[%add3A_21, %dma_wait3A_148] : memref<4736x128xf32, #tpu.memory_space<vmem_shared>> -> memref<104x128xf32, #tpu.memory_space<vmem_shared>>
      %dma_wait3A_150 = arith.constant 0 : i32
      %dma_wait3A_151 = arith.constant 0 : i32
      %dma_wait3A_152 = tpu.memref_slice %arg10[%dma_wait3A_150, %dma_wait3A_151] : memref<104x128xf32, #tpu.memory_space<vmem>> -> memref<104x128xf32, #tpu.memory_space<vmem>>
      tpu.wait_dma2 semaphore(%run_scoped3A : memref<!tpu.dma_semaphore, #tpu.memory_space<semaphore_mem>>) src(%dma_wait3A_152 : memref<104x128xf32, #tpu.memory_space<vmem>>) dst(%dma_wait3A_149 : memref<104x128xf32, #tpu.memory_space<vmem_shared>>)
      tpu.yield
    }) : () -> ()
    %barrier3A = arith.constant 0 : index
    tpu.barrier barrier_id(%barrier3A)
    %mul3A_29 = arith.constant 128 : i32
    %mul3A_30 = arith.muli %add3A, %mul3A_29 : i32
    %mul3A_31 = arith.constant 128 : i32
    %mul3A_32 = arith.muli %add3A, %mul3A_31 : i32
    %mul3A_33 = arith.constant 200 : i32
    %mul3A_34 = arith.muli %mul3A_32, %mul3A_33 : i32
    %add3A_35 = arith.constant 0 : i32
    %add3A_36 = arith.addi %mul3A_34, %add3A_35 : i32
    %add3A_37 = arith.constant 0 : i32
    %add3A_38 = arith.addi %add3A_36, %add3A_37 : i32
    %dma_start3A = arith.constant 0 : i32
    %dma_start3A_39 = tpu.memref_slice %arg6[%dma_start3A] : memref<104xi32, #tpu.memory_space<vmem>> -> memref<96xi32, #tpu.memory_space<vmem>>
    %dma_start3A_40 = tpu.memref_slice %arg3[%add3A_38] : memref<819200xi32, #tpu.memory_space<hbm>> -> memref<96xi32, #tpu.memory_space<hbm>>
    %dma_start3A_41 = arith.constant 0 : i32
    %dma_start3A_42 = tpu.memref_slice %arg6[%dma_start3A_41] : memref<104xi32, #tpu.memory_space<vmem>> -> memref<96xi32, #tpu.memory_space<vmem>>
    %dma_start3A_43 = tpu.memref_slice %arg3[%add3A_38] : memref<819200xi32, #tpu.memory_space<hbm>> -> memref<96xi32, #tpu.memory_space<hbm>>
    tpu.enqueue_dma source(%dma_start3A_43 : memref<96xi32, #tpu.memory_space<hbm>>) target(%dma_start3A_42 : memref<96xi32, #tpu.memory_space<vmem>>) target_semaphore(%arg14 : memref<!tpu.dma_semaphore, #tpu.memory_space<semaphore_mem>>)
    %add3A_44 = arith.constant 0 : i32
    %add3A_45 = arith.addi %mul3A_34, %add3A_44 : i32
    %add3A_46 = arith.constant 96 : i32
    %add3A_47 = arith.addi %add3A_45, %add3A_46 : i32
    %dma_start3A_48 = arith.constant 0 : i32
    %dma_start3A_49 = tpu.memref_slice %arg7[%dma_start3A_48] : memref<104xi32, #tpu.memory_space<vmem>> -> memref<104xi32, #tpu.memory_space<vmem>>
    %dma_start3A_50 = tpu.memref_slice %arg3[%add3A_47] : memref<819200xi32, #tpu.memory_space<hbm>> -> memref<104xi32, #tpu.memory_space<hbm>>
    %dma_start3A_51 = arith.constant 0 : i32
    %dma_start3A_52 = tpu.memref_slice %arg7[%dma_start3A_51] : memref<104xi32, #tpu.memory_space<vmem>> -> memref<104xi32, #tpu.memory_space<vmem>>
    %dma_start3A_53 = tpu.memref_slice %arg3[%add3A_47] : memref<819200xi32, #tpu.memory_space<hbm>> -> memref<104xi32, #tpu.memory_space<hbm>>
    tpu.enqueue_dma source(%dma_start3A_53 : memref<104xi32, #tpu.memory_space<hbm>>) target(%dma_start3A_52 : memref<104xi32, #tpu.memory_space<vmem>>) target_semaphore(%arg15 : memref<!tpu.dma_semaphore, #tpu.memory_space<semaphore_mem>>)
    %add3A_54 = arith.constant 200 : i32
    %add3A_55 = arith.addi %mul3A_34, %add3A_54 : i32
    %add3A_56 = arith.constant 0 : i32
    %add3A_57 = arith.addi %add3A_55, %add3A_56 : i32
    %dma_start3A_58 = arith.constant 0 : i32
    %dma_start3A_59 = tpu.memref_slice %arg8[%dma_start3A_58] : memref<104xi32, #tpu.memory_space<vmem>> -> memref<96xi32, #tpu.memory_space<vmem>>
    %dma_start3A_60 = tpu.memref_slice %arg3[%add3A_57] : memref<819200xi32, #tpu.memory_space<hbm>> -> memref<96xi32, #tpu.memory_space<hbm>>
    %dma_start3A_61 = arith.constant 0 : i32
    %dma_start3A_62 = tpu.memref_slice %arg8[%dma_start3A_61] : memref<104xi32, #tpu.memory_space<vmem>> -> memref<96xi32, #tpu.memory_space<vmem>>
    %dma_start3A_63 = tpu.memref_slice %arg3[%add3A_57] : memref<819200xi32, #tpu.memory_space<hbm>> -> memref<96xi32, #tpu.memory_space<hbm>>
    tpu.enqueue_dma source(%dma_start3A_63 : memref<96xi32, #tpu.memory_space<hbm>>) target(%dma_start3A_62 : memref<96xi32, #tpu.memory_space<vmem>>) target_semaphore(%arg16 : memref<!tpu.dma_semaphore, #tpu.memory_space<semaphore_mem>>)
    %scan3A_64 = arith.constant 0 : i32
    %scan3A_65 = arith.constant 0 : i32
    %scan3A_66 = arith.constant 64 : i32
    %scan3A_67 = arith.addi %scan3A_65, %scan3A_66 : i32
    %scan3A_68 = arith.constant 1 : i32
    %scan3A_69 = scf.for %scan3A_133 = %scan3A_65 to %scan3A_67 step %scan3A_68 iter_args(%scan3A_134 = %scan3A_64) -> (i32)  : i32 {
      %mul3A_135 = arith.constant 2 : i32
      %mul3A_136 = arith.muli %scan3A_133, %mul3A_135 : i32
      %add3A_137 = arith.constant 0 : i32
      %add3A_138 = arith.addi %mul3A_136, %add3A_137 : i32
      %mul3A_139 = arith.constant 200 : i32
      %mul3A_140 = arith.muli %add3A_138, %mul3A_139 : i32
      %add3A_141 = arith.addi %mul3A_34, %mul3A_140 : i32
      %add3A_142 = arith.constant 0 : i32
      %add3A_143 = arith.addi %add3A_141, %add3A_142 : i32
      %dma_wait3A_144 = arith.constant 0 : i32
      %dma_wait3A_145 = tpu.memref_slice %arg6[%dma_wait3A_144] : memref<104xi32, #tpu.memory_space<vmem>> -> memref<96xi32, #tpu.memory_space<vmem>>
      %dma_wait3A_146 = tpu.memref_slice %arg3[%add3A_143] : memref<819200xi32, #tpu.memory_space<hbm>> -> memref<96xi32, #tpu.memory_space<hbm>>
      %dma_wait3A_147 = arith.constant 0 : i32
      %dma_wait3A_148 = tpu.memref_slice %arg6[%dma_wait3A_147] : memref<104xi32, #tpu.memory_space<vmem>> -> memref<96xi32, #tpu.memory_space<vmem>>
      %dma_wait3A_149 = tpu.memref_slice %arg3[%add3A_143] : memref<819200xi32, #tpu.memory_space<hbm>> -> memref<96xi32, #tpu.memory_space<hbm>>
      tpu.wait_dma2 semaphore(%arg14 : memref<!tpu.dma_semaphore, #tpu.memory_space<semaphore_mem>>) src(%dma_wait3A_149 : memref<96xi32, #tpu.memory_space<hbm>>) dst(%dma_wait3A_148 : memref<96xi32, #tpu.memory_space<vmem>>)
      %gt3A = arith.constant 0 : i32
      %gt3A_150 = arith.cmpi sgt, %scan3A_133, %gt3A : i32
      %convert_element_type3A = arith.extui %gt3A_150 : i1 to i32
      %cond3A = arith.constant 0 : i32
      %cond3A_151 = arith.cmpi ne, %convert_element_type3A, %cond3A : i32
      scf.if %cond3A_151 {
        %add3A_390 = arith.addi %mul3A_30, %add3A_138 : i32
        %dma_wait3A_391 = arith.constant 0 : i32
        %dma_wait3A_392 = arith.constant 0 : i32
        %dma_wait3A_393 = tpu.memref_slice %arg12[%dma_wait3A_391, %dma_wait3A_392] : memref<104x64xf32, #tpu.memory_space<vmem>> -> memref<96x64xf32, #tpu.memory_space<vmem>>
        %dma_wait3A_394 = arith.constant 0 : i32
        %dma_wait3A_395 = arith.constant 0 : i32
        %dma_wait3A_396 = tpu.memref_slice %arg4[%add3A_390, %dma_wait3A_394, %dma_wait3A_395] : memref<4096x200x64xf32, #tpu.memory_space<hbm>> -> memref<1x96x64xf32, #tpu.memory_space<hbm>>
        %dma_wait3A_397 = tpu.memref_squeeze %dma_wait3A_396 : memref<1x96x64xf32, #tpu.memory_space<hbm>> -> memref<96x64xf32, #tpu.memory_space<hbm>>
        %dma_wait3A_398 = arith.constant 0 : i32
        %dma_wait3A_399 = arith.constant 0 : i32
        %dma_wait3A_400 = tpu.memref_slice %arg4[%add3A_390, %dma_wait3A_398, %dma_wait3A_399] : memref<4096x200x64xf32, #tpu.memory_space<hbm>> -> memref<1x96x64xf32, #tpu.memory_space<hbm>>
        %dma_wait3A_401 = tpu.memref_squeeze %dma_wait3A_400 : memref<1x96x64xf32, #tpu.memory_space<hbm>> -> memref<96x64xf32, #tpu.memory_space<hbm>>
        %dma_wait3A_402 = arith.constant 0 : i32
        %dma_wait3A_403 = arith.constant 0 : i32
        %dma_wait3A_404 = tpu.memref_slice %arg12[%dma_wait3A_402, %dma_wait3A_403] : memref<104x64xf32, #tpu.memory_space<vmem>> -> memref<96x64xf32, #tpu.memory_space<vmem>>
        tpu.wait_dma2 semaphore(%arg20 : memref<!tpu.dma_semaphore, #tpu.memory_space<semaphore_mem>>) src(%dma_wait3A_404 : memref<96x64xf32, #tpu.memory_space<vmem>>) dst(%dma_wait3A_401 : memref<96x64xf32, #tpu.memory_space<hbm>>)
      } else {
      }
      %dma_start3A_152 = arith.constant 0 : i32
      %dma_start3A_153 = arith.constant 0 : i32
      %dma_start3A_154 = tpu.memref_slice %arg10[%dma_start3A_152, %dma_start3A_153] : memref<104x128xf32, #tpu.memory_space<vmem>> -> memref<96x128xf32, #tpu.memory_space<vmem>>
      %dma_start3A_155 = arith.constant 0 : i32
      %dma_start3A_156 = tpu.memref_slice %arg6[%dma_start3A_155] : memref<104xi32, #tpu.memory_space<vmem>> -> memref<96xi32, #tpu.memory_space<vmem>>
      %dma_start3A_157 = arith.constant 0 : i32
      %dma_start3A_158 = arith.constant 0 : i32
      %dma_start3A_159 = tpu.memref_slice %arg5[%dma_start3A_157, %dma_start3A_158] : memref<4736x128xf32, #tpu.memory_space<vmem_shared>> -> memref<4736x128xf32, #tpu.memory_space<vmem_shared>>
      tpu.enqueue_indirect_dma source(%dma_start3A_159 : memref<4736x128xf32, #tpu.memory_space<vmem_shared>>) target(%dma_start3A_154 : memref<96x128xf32, #tpu.memory_space<vmem>>) offsets(%dma_start3A_156 : memref<96xi32, #tpu.memory_space<vmem>>) semaphore(%arg18 : memref<!tpu.dma_semaphore, #tpu.memory_space<semaphore_mem>>)
      %sub3A = arith.constant 1 : i32
      %sub3A_160 = arith.subi %add3A_138, %sub3A : i32
      %gt3A_161 = arith.constant 0 : i32
      %gt3A_162 = arith.cmpi sgt, %scan3A_133, %gt3A_161 : i32
      %convert_element_type3A_163 = arith.extui %gt3A_162 : i1 to i32
      %cond3A_164 = arith.constant 0 : i32
      %cond3A_165 = arith.cmpi ne, %convert_element_type3A_163, %cond3A_164 : i32
      scf.if %cond3A_165 {
        %dma_wait3A_390 = arith.constant 0 : i32
        %dma_wait3A_391 = arith.constant 0 : i32
        %dma_wait3A_392 = tpu.memref_slice %arg11[%dma_wait3A_390, %dma_wait3A_391] : memref<104x128xf32, #tpu.memory_space<vmem>> -> memref<104x128xf32, #tpu.memory_space<vmem>>
        %dma_wait3A_393 = arith.constant 0 : i32
        %dma_wait3A_394 = tpu.memref_slice %arg9[%dma_wait3A_393] : memref<104xi32, #tpu.memory_space<vmem>> -> memref<104xi32, #tpu.memory_space<vmem>>
        %dma_wait3A_395 = arith.constant 0 : i32
        %dma_wait3A_396 = arith.constant 0 : i32
        %dma_wait3A_397 = tpu.memref_slice %arg5[%dma_wait3A_395, %dma_wait3A_396] : memref<4736x128xf32, #tpu.memory_space<vmem_shared>> -> memref<4736x128xf32, #tpu.memory_space<vmem_shared>>
        tpu.wait_indirect_dma semaphore(%arg19 : memref<!tpu.dma_semaphore, #tpu.memory_space<semaphore_mem>>) src(%dma_wait3A_397 : memref<4736x128xf32, #tpu.memory_space<vmem_shared>>) dst(%dma_wait3A_392 : memref<104x128xf32, #tpu.memory_space<vmem>>)
        %scan3A_398 = arith.constant 0 : i32
        %scan3A_399 = arith.constant 0 : i32
        %scan3A_400 = arith.constant 104 : i32
        %scan3A_401 = arith.addi %scan3A_399, %scan3A_400 : i32
        %scan3A_402 = arith.constant 1 : i32
        %scan3A_403 = scf.for %scan3A_420 = %scan3A_399 to %scan3A_401 step %scan3A_402 iter_args(%scan3A_421 = %scan3A_398) -> (i32)  : i32 {
          %get3A = arith.index_cast %scan3A_420 : i32 to index
          %get3A_422 = arith.constant 0 : index
          %get3A_423 = tpu.vector_load %arg11[%get3A, %get3A_422] {strides = array<i32>} : memref<104x128xf32, #tpu.memory_space<vmem>>, vector<1x16xf32>,
          %get3A_424 = vector.shape_cast %get3A_423 : vector<1x16xf32> to vector<16xf32>
          %swap3A = arith.index_cast %scan3A_420 : i32 to index
          %swap3A_425 = arith.constant 0 : index
          %swap3A_426 = tpu.vector_load %arg13[%swap3A, %swap3A_425] {strides = array<i32>} : memref<104x64xf32, #tpu.memory_space<vmem>>, vector<1x16xf32>,
          %swap3A_427 = vector.shape_cast %swap3A_426 : vector<1x16xf32> to vector<16xf32>
          %swap3A_428 = vector.shape_cast %get3A_424 : vector<16xf32> to vector<1x16xf32>
          tpu.vector_store %arg13[%swap3A, %swap3A_425], %swap3A_428 {strides = array<i32>} : memref<104x64xf32, #tpu.memory_space<vmem>>, vector<1x16xf32>,
          %get3A_429 = arith.index_cast %scan3A_420 : i32 to index
          %get3A_430 = arith.constant 16 : index
          %get3A_431 = tpu.vector_load %arg11[%get3A_429, %get3A_430] {strides = array<i32>} : memref<104x128xf32, #tpu.memory_space<vmem>>, vector<1x16xf32>,
          %get3A_432 = vector.shape_cast %get3A_431 : vector<1x16xf32> to vector<16xf32>
          %swap3A_433 = arith.index_cast %scan3A_420 : i32 to index
          %swap3A_434 = arith.constant 16 : index
          %swap3A_435 = tpu.vector_load %arg13[%swap3A_433, %swap3A_434] {strides = array<i32>} : memref<104x64xf32, #tpu.memory_space<vmem>>, vector<1x16xf32>,
          %swap3A_436 = vector.shape_cast %swap3A_435 : vector<1x16xf32> to vector<16xf32>
          %swap3A_437 = vector.shape_cast %get3A_432 : vector<16xf32> to vector<1x16xf32>
          tpu.vector_store %arg13[%swap3A_433, %swap3A_434], %swap3A_437 {strides = array<i32>} : memref<104x64xf32, #tpu.memory_space<vmem>>, vector<1x16xf32>,
          %get3A_438 = arith.index_cast %scan3A_420 : i32 to index
          %get3A_439 = arith.constant 32 : index
          %get3A_440 = tpu.vector_load %arg11[%get3A_438, %get3A_439] {strides = array<i32>} : memref<104x128xf32, #tpu.memory_space<vmem>>, vector<1x16xf32>,
          %get3A_441 = vector.shape_cast %get3A_440 : vector<1x16xf32> to vector<16xf32>
          %swap3A_442 = arith.index_cast %scan3A_420 : i32 to index
          %swap3A_443 = arith.constant 32 : index
          %swap3A_444 = tpu.vector_load %arg13[%swap3A_442, %swap3A_443] {strides = array<i32>} : memref<104x64xf32, #tpu.memory_space<vmem>>, vector<1x16xf32>,
          %swap3A_445 = vector.shape_cast %swap3A_444 : vector<1x16xf32> to vector<16xf32>
          %swap3A_446 = vector.shape_cast %get3A_441 : vector<16xf32> to vector<1x16xf32>
          tpu.vector_store %arg13[%swap3A_442, %swap3A_443], %swap3A_446 {strides = array<i32>} : memref<104x64xf32, #tpu.memory_space<vmem>>, vector<1x16xf32>,
          %get3A_447 = arith.index_cast %scan3A_420 : i32 to index
          %get3A_448 = arith.constant 48 : index
          %get3A_449 = tpu.vector_load %arg11[%get3A_447, %get3A_448] {strides = array<i32>} : memref<104x128xf32, #tpu.memory_space<vmem>>, vector<1x16xf32>,
          %get3A_450 = vector.shape_cast %get3A_449 : vector<1x16xf32> to vector<16xf32>
          %swap3A_451 = arith.index_cast %scan3A_420 : i32 to index
          %swap3A_452 = arith.constant 48 : index
          %swap3A_453 = tpu.vector_load %arg13[%swap3A_451, %swap3A_452] {strides = array<i32>} : memref<104x64xf32, #tpu.memory_space<vmem>>, vector<1x16xf32>,
          %swap3A_454 = vector.shape_cast %swap3A_453 : vector<1x16xf32> to vector<16xf32>
          %swap3A_455 = vector.shape_cast %get3A_450 : vector<16xf32> to vector<1x16xf32>
          tpu.vector_store %arg13[%swap3A_451, %swap3A_452], %swap3A_455 {strides = array<i32>} : memref<104x64xf32, #tpu.memory_space<vmem>>, vector<1x16xf32>,
          %scan3A_456 = arith.constant 0 : i32
          scf.yield %scan3A_456 : i32
        }
        %scan3A_404 = arith.constant 104 : i32
        %add3A_405 = arith.addi %mul3A_30, %sub3A_160 : i32
        %dma_start3A_406 = arith.constant 0 : i32
        %dma_start3A_407 = arith.constant 0 : i32
        %dma_start3A_408 = tpu.memref_slice %arg13[%dma_start3A_406, %dma_start3A_407] : memref<104x64xf32, #tpu.memory_space<vmem>> -> memref<104x64xf32, #tpu.memory_space<vmem>>
        %dma_start3A_409 = arith.constant 96 : i32
        %dma_start3A_410 = arith.constant 0 : i32
        %dma_start3A_411 = tpu.memref_slice %arg4[%add3A_405, %dma_start3A_409, %dma_start3A_410] : memref<4096x200x64xf32, #tpu.memory_space<hbm>> -> memref<1x104x64xf32, #tpu.memory_space<hbm>>
        %dma_start3A_412 = tpu.memref_squeeze %dma_start3A_411 : memref<1x104x64xf32, #tpu.memory_space<hbm>> -> memref<104x64xf32, #tpu.memory_space<hbm>>
        %dma_start3A_413 = arith.constant 96 : i32
        %dma_start3A_414 = arith.constant 0 : i32
        %dma_start3A_415 = tpu.memref_slice %arg4[%add3A_405, %dma_start3A_413, %dma_start3A_414] : memref<4096x200x64xf32, #tpu.memory_space<hbm>> -> memref<1x104x64xf32, #tpu.memory_space<hbm>>
        %dma_start3A_416 = tpu.memref_squeeze %dma_start3A_415 : memref<1x104x64xf32, #tpu.memory_space<hbm>> -> memref<104x64xf32, #tpu.memory_space<hbm>>
        %dma_start3A_417 = arith.constant 0 : i32
        %dma_start3A_418 = arith.constant 0 : i32
        %dma_start3A_419 = tpu.memref_slice %arg13[%dma_start3A_417, %dma_start3A_418] : memref<104x64xf32, #tpu.memory_space<vmem>> -> memref<104x64xf32, #tpu.memory_space<vmem>>
        tpu.enqueue_dma source(%dma_start3A_419 : memref<104x64xf32, #tpu.memory_space<vmem>>) target(%dma_start3A_416 : memref<104x64xf32, #tpu.memory_space<hbm>>) target_semaphore(%arg21 : memref<!tpu.dma_semaphore, #tpu.memory_space<semaphore_mem>>)
      } else {
      }
      %mul3A_166 = arith.constant 2 : i32
      %mul3A_167 = arith.muli %scan3A_133, %mul3A_166 : i32
      %add3A_168 = arith.constant 1 : i32
      %add3A_169 = arith.addi %mul3A_167, %add3A_168 : i32
      %mul3A_170 = arith.constant 200 : i32
      %mul3A_171 = arith.muli %add3A_169, %mul3A_170 : i32
      %add3A_172 = arith.addi %mul3A_34, %mul3A_171 : i32
      %add3A_173 = arith.constant 96 : i32
      %add3A_174 = arith.addi %add3A_172, %add3A_173 : i32
      %dma_start3A_175 = arith.constant 0 : i32
      %dma_start3A_176 = tpu.memref_slice %arg9[%dma_start3A_175] : memref<104xi32, #tpu.memory_space<vmem>> -> memref<104xi32, #tpu.memory_space<vmem>>
      %dma_start3A_177 = tpu.memref_slice %arg3[%add3A_174] : memref<819200xi32, #tpu.memory_space<hbm>> -> memref<104xi32, #tpu.memory_space<hbm>>
      %dma_start3A_178 = arith.constant 0 : i32
      %dma_start3A_179 = tpu.memref_slice %arg9[%dma_start3A_178] : memref<104xi32, #tpu.memory_space<vmem>> -> memref<104xi32, #tpu.memory_space<vmem>>
      %dma_start3A_180 = tpu.memref_slice %arg3[%add3A_174] : memref<819200xi32, #tpu.memory_space<hbm>> -> memref<104xi32, #tpu.memory_space<hbm>>
      tpu.enqueue_dma source(%dma_start3A_180 : memref<104xi32, #tpu.memory_space<hbm>>) target(%dma_start3A_179 : memref<104xi32, #tpu.memory_space<vmem>>) target_semaphore(%arg17 : memref<!tpu.dma_semaphore, #tpu.memory_space<semaphore_mem>>)
      %mul3A_181 = arith.constant 200 : i32
      %mul3A_182 = arith.muli %add3A_138, %mul3A_181 : i32
      %add3A_183 = arith.addi %mul3A_34, %mul3A_182 : i32
      %add3A_184 = arith.constant 96 : i32
      %add3A_185 = arith.addi %add3A_183, %add3A_184 : i32
      %dma_wait3A_186 = arith.constant 0 : i32
      %dma_wait3A_187 = tpu.memref_slice %arg7[%dma_wait3A_186] : memref<104xi32, #tpu.memory_space<vmem>> -> memref<104xi32, #tpu.memory_space<vmem>>
      %dma_wait3A_188 = tpu.memref_slice %arg3[%add3A_185] : memref<819200xi32, #tpu.memory_space<hbm>> -> memref<104xi32, #tpu.memory_space<hbm>>
      %dma_wait3A_189 = arith.constant 0 : i32
      %dma_wait3A_190 = tpu.memref_slice %arg7[%dma_wait3A_189] : memref<104xi32, #tpu.memory_space<vmem>> -> memref<104xi32, #tpu.memory_space<vmem>>
      %dma_wait3A_191 = tpu.memref_slice %arg3[%add3A_185] : memref<819200xi32, #tpu.memory_space<hbm>> -> memref<104xi32, #tpu.memory_space<hbm>>
      tpu.wait_dma2 semaphore(%arg15 : memref<!tpu.dma_semaphore, #tpu.memory_space<semaphore_mem>>) src(%dma_wait3A_191 : memref<104xi32, #tpu.memory_space<hbm>>) dst(%dma_wait3A_190 : memref<104xi32, #tpu.memory_space<vmem>>)
      %gt3A_192 = arith.constant 0 : i32
      %gt3A_193 = arith.cmpi sgt, %scan3A_133, %gt3A_192 : i32
      %convert_element_type3A_194 = arith.extui %gt3A_193 : i1 to i32
      %cond3A_195 = arith.constant 0 : i32
      %cond3A_196 = arith.cmpi ne, %convert_element_type3A_194, %cond3A_195 : i32
      scf.if %cond3A_196 {
        %add3A_390 = arith.addi %mul3A_30, %add3A_138 : i32
        %dma_wait3A_391 = arith.constant 0 : i32
        %dma_wait3A_392 = arith.constant 0 : i32
        %dma_wait3A_393 = tpu.memref_slice %arg13[%dma_wait3A_391, %dma_wait3A_392] : memref<104x64xf32, #tpu.memory_space<vmem>> -> memref<104x64xf32, #tpu.memory_space<vmem>>
        %dma_wait3A_394 = arith.constant 96 : i32
        %dma_wait3A_395 = arith.constant 0 : i32
        %dma_wait3A_396 = tpu.memref_slice %arg4[%add3A_390, %dma_wait3A_394, %dma_wait3A_395] : memref<4096x200x64xf32, #tpu.memory_space<hbm>> -> memref<1x104x64xf32, #tpu.memory_space<hbm>>
        %dma_wait3A_397 = tpu.memref_squeeze %dma_wait3A_396 : memref<1x104x64xf32, #tpu.memory_space<hbm>> -> memref<104x64xf32, #tpu.memory_space<hbm>>
        %dma_wait3A_398 = arith.constant 96 : i32
        %dma_wait3A_399 = arith.constant 0 : i32
        %dma_wait3A_400 = tpu.memref_slice %arg4[%add3A_390, %dma_wait3A_398, %dma_wait3A_399] : memref<4096x200x64xf32, #tpu.memory_space<hbm>> -> memref<1x104x64xf32, #tpu.memory_space<hbm>>
        %dma_wait3A_401 = tpu.memref_squeeze %dma_wait3A_400 : memref<1x104x64xf32, #tpu.memory_space<hbm>> -> memref<104x64xf32, #tpu.memory_space<hbm>>
        %dma_wait3A_402 = arith.constant 0 : i32
        %dma_wait3A_403 = arith.constant 0 : i32
        %dma_wait3A_404 = tpu.memref_slice %arg13[%dma_wait3A_402, %dma_wait3A_403] : memref<104x64xf32, #tpu.memory_space<vmem>> -> memref<104x64xf32, #tpu.memory_space<vmem>>
        tpu.wait_dma2 semaphore(%arg21 : memref<!tpu.dma_semaphore, #tpu.memory_space<semaphore_mem>>) src(%dma_wait3A_404 : memref<104x64xf32, #tpu.memory_space<vmem>>) dst(%dma_wait3A_401 : memref<104x64xf32, #tpu.memory_space<hbm>>)
      } else {
      }
      %dma_start3A_197 = arith.constant 0 : i32
      %dma_start3A_198 = arith.constant 0 : i32
      %dma_start3A_199 = tpu.memref_slice %arg11[%dma_start3A_197, %dma_start3A_198] : memref<104x128xf32, #tpu.memory_space<vmem>> -> memref<104x128xf32, #tpu.memory_space<vmem>>
      %dma_start3A_200 = arith.constant 0 : i32
      %dma_start3A_201 = tpu.memref_slice %arg7[%dma_start3A_200] : memref<104xi32, #tpu.memory_space<vmem>> -> memref<104xi32, #tpu.memory_space<vmem>>
      %dma_start3A_202 = arith.constant 0 : i32
      %dma_start3A_203 = arith.constant 0 : i32
      %dma_start3A_204 = tpu.memref_slice %arg5[%dma_start3A_202, %dma_start3A_203] : memref<4736x128xf32, #tpu.memory_space<vmem_shared>> -> memref<4736x128xf32, #tpu.memory_space<vmem_shared>>
      tpu.enqueue_indirect_dma source(%dma_start3A_204 : memref<4736x128xf32, #tpu.memory_space<vmem_shared>>) target(%dma_start3A_199 : memref<104x128xf32, #tpu.memory_space<vmem>>) offsets(%dma_start3A_201 : memref<104xi32, #tpu.memory_space<vmem>>) semaphore(%arg19 : memref<!tpu.dma_semaphore, #tpu.memory_space<semaphore_mem>>)
      %dma_wait3A_205 = arith.constant 0 : i32
      %dma_wait3A_206 = arith.constant 0 : i32
      %dma_wait3A_207 = tpu.memref_slice %arg10[%dma_wait3A_205, %dma_wait3A_206] : memref<104x128xf32, #tpu.memory_space<vmem>> -> memref<96x128xf32, #tpu.memory_space<vmem>>
      %dma_wait3A_208 = arith.constant 0 : i32
      %dma_wait3A_209 = tpu.memref_slice %arg6[%dma_wait3A_208] : memref<104xi32, #tpu.memory_space<vmem>> -> memref<96xi32, #tpu.memory_space<vmem>>
      %dma_wait3A_210 = arith.constant 0 : i32
      %dma_wait3A_211 = arith.constant 0 : i32
      %dma_wait3A_212 = tpu.memref_slice %arg5[%dma_wait3A_210, %dma_wait3A_211] : memref<4736x128xf32, #tpu.memory_space<vmem_shared>> -> memref<4736x128xf32, #tpu.memory_space<vmem_shared>>
      tpu.wait_indirect_dma semaphore(%arg18 : memref<!tpu.dma_semaphore, #tpu.memory_space<semaphore_mem>>) src(%dma_wait3A_212 : memref<4736x128xf32, #tpu.memory_space<vmem_shared>>) dst(%dma_wait3A_207 : memref<96x128xf32, #tpu.memory_space<vmem>>)
      %scan3A_213 = arith.constant 0 : i32
      %scan3A_214 = arith.constant 0 : i32
      %scan3A_215 = arith.constant 96 : i32
      %scan3A_216 = arith.addi %scan3A_214, %scan3A_215 : i32
      %scan3A_217 = arith.constant 1 : i32
      %scan3A_218 = scf.for %scan3A_390 = %scan3A_214 to %scan3A_216 step %scan3A_217 iter_args(%scan3A_391 = %scan3A_213) -> (i32)  : i32 {
        %get3A = arith.index_cast %scan3A_390 : i32 to index
        %get3A_392 = arith.constant 0 : index
        %get3A_393 = tpu.vector_load %arg10[%get3A, %get3A_392] {strides = array<i32>} : memref<104x128xf32, #tpu.memory_space<vmem>>, vector<1x16xf32>,
        %get3A_394 = vector.shape_cast %get3A_393 : vector<1x16xf32> to vector<16xf32>
        %swap3A = arith.index_cast %scan3A_390 : i32 to index
        %swap3A_395 = arith.constant 0 : index
        %swap3A_396 = tpu.vector_load %arg12[%swap3A, %swap3A_395] {strides = array<i32>} : memref<104x64xf32, #tpu.memory_space<vmem>>, vector<1x16xf32>,
        %swap3A_397 = vector.shape_cast %swap3A_396 : vector<1x16xf32> to vector<16xf32>
        %swap3A_398 = vector.shape_cast %get3A_394 : vector<16xf32> to vector<1x16xf32>
        tpu.vector_store %arg12[%swap3A, %swap3A_395], %swap3A_398 {strides = array<i32>} : memref<104x64xf32, #tpu.memory_space<vmem>>, vector<1x16xf32>,
        %get3A_399 = arith.index_cast %scan3A_390 : i32 to index
        %get3A_400 = arith.constant 16 : index
        %get3A_401 = tpu.vector_load %arg10[%get3A_399, %get3A_400] {strides = array<i32>} : memref<104x128xf32, #tpu.memory_space<vmem>>, vector<1x16xf32>,
        %get3A_402 = vector.shape_cast %get3A_401 : vector<1x16xf32> to vector<16xf32>
        %swap3A_403 = arith.index_cast %scan3A_390 : i32 to index
        %swap3A_404 = arith.constant 16 : index
        %swap3A_405 = tpu.vector_load %arg12[%swap3A_403, %swap3A_404] {strides = array<i32>} : memref<104x64xf32, #tpu.memory_space<vmem>>, vector<1x16xf32>,
        %swap3A_406 = vector.shape_cast %swap3A_405 : vector<1x16xf32> to vector<16xf32>
        %swap3A_407 = vector.shape_cast %get3A_402 : vector<16xf32> to vector<1x16xf32>
        tpu.vector_store %arg12[%swap3A_403, %swap3A_404], %swap3A_407 {strides = array<i32>} : memref<104x64xf32, #tpu.memory_space<vmem>>, vector<1x16xf32>,
        %get3A_408 = arith.index_cast %scan3A_390 : i32 to index
        %get3A_409 = arith.constant 32 : index
        %get3A_410 = tpu.vector_load %arg10[%get3A_408, %get3A_409] {strides = array<i32>} : memref<104x128xf32, #tpu.memory_space<vmem>>, vector<1x16xf32>,
        %get3A_411 = vector.shape_cast %get3A_410 : vector<1x16xf32> to vector<16xf32>
        %swap3A_412 = arith.index_cast %scan3A_390 : i32 to index
        %swap3A_413 = arith.constant 32 : index
        %swap3A_414 = tpu.vector_load %arg12[%swap3A_412, %swap3A_413] {strides = array<i32>} : memref<104x64xf32, #tpu.memory_space<vmem>>, vector<1x16xf32>,
        %swap3A_415 = vector.shape_cast %swap3A_414 : vector<1x16xf32> to vector<16xf32>
        %swap3A_416 = vector.shape_cast %get3A_411 : vector<16xf32> to vector<1x16xf32>
        tpu.vector_store %arg12[%swap3A_412, %swap3A_413], %swap3A_416 {strides = array<i32>} : memref<104x64xf32, #tpu.memory_space<vmem>>, vector<1x16xf32>,
        %get3A_417 = arith.index_cast %scan3A_390 : i32 to index
        %get3A_418 = arith.constant 48 : index
        %get3A_419 = tpu.vector_load %arg10[%get3A_417, %get3A_418] {strides = array<i32>} : memref<104x128xf32, #tpu.memory_space<vmem>>, vector<1x16xf32>,
        %get3A_420 = vector.shape_cast %get3A_419 : vector<1x16xf32> to vector<16xf32>
        %swap3A_421 = arith.index_cast %scan3A_390 : i32 to index
        %swap3A_422 = arith.constant 48 : index
        %swap3A_423 = tpu.vector_load %arg12[%swap3A_421, %swap3A_422] {strides = array<i32>} : memref<104x64xf32, #tpu.memory_space<vmem>>, vector<1x16xf32>,
        %swap3A_424 = vector.shape_cast %swap3A_423 : vector<1x16xf32> to vector<16xf32>
        %swap3A_425 = vector.shape_cast %get3A_420 : vector<16xf32> to vector<1x16xf32>
        tpu.vector_store %arg12[%swap3A_421, %swap3A_422], %swap3A_425 {strides = array<i32>} : memref<104x64xf32, #tpu.memory_space<vmem>>, vector<1x16xf32>,
        %scan3A_426 = arith.constant 0 : i32
        scf.yield %scan3A_426 : i32
      }
      %scan3A_219 = arith.constant 96 : i32
      %add3A_220 = arith.addi %mul3A_30, %add3A_138 : i32
      %dma_start3A_221 = arith.constant 0 : i32
      %dma_start3A_222 = arith.constant 0 : i32
      %dma_start3A_223 = tpu.memref_slice %arg12[%dma_start3A_221, %dma_start3A_222] : memref<104x64xf32, #tpu.memory_space<vmem>> -> memref<96x64xf32, #tpu.memory_space<vmem>>
      %dma_start3A_224 = arith.constant 0 : i32
      %dma_start3A_225 = arith.constant 0 : i32
      %dma_start3A_226 = tpu.memref_slice %arg4[%add3A_220, %dma_start3A_224, %dma_start3A_225] : memref<4096x200x64xf32, #tpu.memory_space<hbm>> -> memref<1x96x64xf32, #tpu.memory_space<hbm>>
      %dma_start3A_227 = tpu.memref_squeeze %dma_start3A_226 : memref<1x96x64xf32, #tpu.memory_space<hbm>> -> memref<96x64xf32, #tpu.memory_space<hbm>>
      %dma_start3A_228 = arith.constant 0 : i32
      %dma_start3A_229 = arith.constant 0 : i32
      %dma_start3A_230 = tpu.memref_slice %arg4[%add3A_220, %dma_start3A_228, %dma_start3A_229] : memref<4096x200x64xf32, #tpu.memory_space<hbm>> -> memref<1x96x64xf32, #tpu.memory_space<hbm>>
      %dma_start3A_231 = tpu.memref_squeeze %dma_start3A_230 : memref<1x96x64xf32, #tpu.memory_space<hbm>> -> memref<96x64xf32, #tpu.memory_space<hbm>>
      %dma_start3A_232 = arith.constant 0 : i32
      %dma_start3A_233 = arith.constant 0 : i32
      %dma_start3A_234 = tpu.memref_slice %arg12[%dma_start3A_232, %dma_start3A_233] : memref<104x64xf32, #tpu.memory_space<vmem>> -> memref<96x64xf32, #tpu.memory_space<vmem>>
      tpu.enqueue_dma source(%dma_start3A_234 : memref<96x64xf32, #tpu.memory_space<vmem>>) target(%dma_start3A_231 : memref<96x64xf32, #tpu.memory_space<hbm>>) target_semaphore(%arg20 : memref<!tpu.dma_semaphore, #tpu.memory_space<semaphore_mem>>)
      %add3A_235 = arith.constant 1 : i32
      %add3A_236 = arith.addi %scan3A_133, %add3A_235 : i32
      %lt3A = arith.constant 64 : i32
      %lt3A_237 = arith.cmpi slt, %add3A_236, %lt3A : i32
      %convert_element_type3A_238 = arith.extui %lt3A_237 : i1 to i32
      %cond3A_239 = arith.constant 0 : i32
      %cond3A_240 = arith.cmpi ne, %convert_element_type3A_238, %cond3A_239 : i32
      scf.if %cond3A_240 {
        %mul3A_390 = arith.constant 2 : i32
        %mul3A_391 = arith.muli %scan3A_133, %mul3A_390 : i32
        %add3A_392 = arith.constant 2 : i32
        %add3A_393 = arith.addi %mul3A_391, %add3A_392 : i32
        %mul3A_394 = arith.constant 200 : i32
        %mul3A_395 = arith.muli %add3A_393, %mul3A_394 : i32
        %add3A_396 = arith.addi %mul3A_34, %mul3A_395 : i32
        %add3A_397 = arith.constant 0 : i32
        %add3A_398 = arith.addi %add3A_396, %add3A_397 : i32
        %dma_start3A_399 = arith.constant 0 : i32
        %dma_start3A_400 = tpu.memref_slice %arg6[%dma_start3A_399] : memref<104xi32, #tpu.memory_space<vmem>> -> memref<96xi32, #tpu.memory_space<vmem>>
        %dma_start3A_401 = tpu.memref_slice %arg3[%add3A_398] : memref<819200xi32, #tpu.memory_space<hbm>> -> memref<96xi32, #tpu.memory_space<hbm>>
        %dma_start3A_402 = arith.constant 0 : i32
        %dma_start3A_403 = tpu.memref_slice %arg6[%dma_start3A_402] : memref<104xi32, #tpu.memory_space<vmem>> -> memref<96xi32, #tpu.memory_space<vmem>>
        %dma_start3A_404 = tpu.memref_slice %arg3[%add3A_398] : memref<819200xi32, #tpu.memory_space<hbm>> -> memref<96xi32, #tpu.memory_space<hbm>>
        tpu.enqueue_dma source(%dma_start3A_404 : memref<96xi32, #tpu.memory_space<hbm>>) target(%dma_start3A_403 : memref<96xi32, #tpu.memory_space<vmem>>) target_semaphore(%arg14 : memref<!tpu.dma_semaphore, #tpu.memory_space<semaphore_mem>>)
      } else {
      }
      %mul3A_241 = arith.constant 2 : i32
      %mul3A_242 = arith.muli %scan3A_133, %mul3A_241 : i32
      %add3A_243 = arith.constant 1 : i32
      %add3A_244 = arith.addi %mul3A_242, %add3A_243 : i32
      %mul3A_245 = arith.constant 200 : i32
      %mul3A_246 = arith.muli %add3A_244, %mul3A_245 : i32
      %add3A_247 = arith.addi %mul3A_34, %mul3A_246 : i32
      %add3A_248 = arith.constant 0 : i32
      %add3A_249 = arith.addi %add3A_247, %add3A_248 : i32
      %dma_wait3A_250 = arith.constant 0 : i32
      %dma_wait3A_251 = tpu.memref_slice %arg8[%dma_wait3A_250] : memref<104xi32, #tpu.memory_space<vmem>> -> memref<96xi32, #tpu.memory_space<vmem>>
      %dma_wait3A_252 = tpu.memref_slice %arg3[%add3A_249] : memref<819200xi32, #tpu.memory_space<hbm>> -> memref<96xi32, #tpu.memory_space<hbm>>
      %dma_wait3A_253 = arith.constant 0 : i32
      %dma_wait3A_254 = tpu.memref_slice %arg8[%dma_wait3A_253] : memref<104xi32, #tpu.memory_space<vmem>> -> memref<96xi32, #tpu.memory_space<vmem>>
      %dma_wait3A_255 = tpu.memref_slice %arg3[%add3A_249] : memref<819200xi32, #tpu.memory_space<hbm>> -> memref<96xi32, #tpu.memory_space<hbm>>
      tpu.wait_dma2 semaphore(%arg16 : memref<!tpu.dma_semaphore, #tpu.memory_space<semaphore_mem>>) src(%dma_wait3A_255 : memref<96xi32, #tpu.memory_space<hbm>>) dst(%dma_wait3A_254 : memref<96xi32, #tpu.memory_space<vmem>>)
      %add3A_256 = arith.addi %mul3A_30, %add3A_244 : i32
      %dma_wait3A_257 = arith.constant 0 : i32
      %dma_wait3A_258 = arith.constant 0 : i32
      %dma_wait3A_259 = tpu.memref_slice %arg12[%dma_wait3A_257, %dma_wait3A_258] : memref<104x64xf32, #tpu.memory_space<vmem>> -> memref<96x64xf32, #tpu.memory_space<vmem>>
      %dma_wait3A_260 = arith.constant 0 : i32
      %dma_wait3A_261 = arith.constant 0 : i32
      %dma_wait3A_262 = tpu.memref_slice %arg4[%add3A_256, %dma_wait3A_260, %dma_wait3A_261] : memref<4096x200x64xf32, #tpu.memory_space<hbm>> -> memref<1x96x64xf32, #tpu.memory_space<hbm>>
      %dma_wait3A_263 = tpu.memref_squeeze %dma_wait3A_262 : memref<1x96x64xf32, #tpu.memory_space<hbm>> -> memref<96x64xf32, #tpu.memory_space<hbm>>
      %dma_wait3A_264 = arith.constant 0 : i32
      %dma_wait3A_265 = arith.constant 0 : i32
      %dma_wait3A_266 = tpu.memref_slice %arg4[%add3A_256, %dma_wait3A_264, %dma_wait3A_265] : memref<4096x200x64xf32, #tpu.memory_space<hbm>> -> memref<1x96x64xf32, #tpu.memory_space<hbm>>
      %dma_wait3A_267 = tpu.memref_squeeze %dma_wait3A_266 : memref<1x96x64xf32, #tpu.memory_space<hbm>> -> memref<96x64xf32, #tpu.memory_space<hbm>>
      %dma_wait3A_268 = arith.constant 0 : i32
      %dma_wait3A_269 = arith.constant 0 : i32
      %dma_wait3A_270 = tpu.memref_slice %arg12[%dma_wait3A_268, %dma_wait3A_269] : memref<104x64xf32, #tpu.memory_space<vmem>> -> memref<96x64xf32, #tpu.memory_space<vmem>>
      tpu.wait_dma2 semaphore(%arg20 : memref<!tpu.dma_semaphore, #tpu.memory_space<semaphore_mem>>) src(%dma_wait3A_270 : memref<96x64xf32, #tpu.memory_space<vmem>>) dst(%dma_wait3A_267 : memref<96x64xf32, #tpu.memory_space<hbm>>)
      %dma_start3A_271 = arith.constant 0 : i32
      %dma_start3A_272 = arith.constant 0 : i32
      %dma_start3A_273 = tpu.memref_slice %arg10[%dma_start3A_271, %dma_start3A_272] : memref<104x128xf32, #tpu.memory_space<vmem>> -> memref<96x128xf32, #tpu.memory_space<vmem>>
      %dma_start3A_274 = arith.constant 0 : i32
      %dma_start3A_275 = tpu.memref_slice %arg8[%dma_start3A_274] : memref<104xi32, #tpu.memory_space<vmem>> -> memref<96xi32, #tpu.memory_space<vmem>>
      %dma_start3A_276 = arith.constant 0 : i32
      %dma_start3A_277 = arith.constant 0 : i32
      %dma_start3A_278 = tpu.memref_slice %arg5[%dma_start3A_276, %dma_start3A_277] : memref<4736x128xf32, #tpu.memory_space<vmem_shared>> -> memref<4736x128xf32, #tpu.memory_space<vmem_shared>>
      tpu.enqueue_indirect_dma source(%dma_start3A_278 : memref<4736x128xf32, #tpu.memory_space<vmem_shared>>) target(%dma_start3A_273 : memref<96x128xf32, #tpu.memory_space<vmem>>) offsets(%dma_start3A_275 : memref<96xi32, #tpu.memory_space<vmem>>) semaphore(%arg18 : memref<!tpu.dma_semaphore, #tpu.memory_space<semaphore_mem>>)
      %sub3A_279 = arith.constant 1 : i32
      %sub3A_280 = arith.subi %add3A_244, %sub3A_279 : i32
      %dma_wait3A_281 = arith.constant 0 : i32
      %dma_wait3A_282 = arith.constant 0 : i32
      %dma_wait3A_283 = tpu.memref_slice %arg11[%dma_wait3A_281, %dma_wait3A_282] : memref<104x128xf32, #tpu.memory_space<vmem>> -> memref<104x128xf32, #tpu.memory_space<vmem>>
      %dma_wait3A_284 = arith.constant 0 : i32
      %dma_wait3A_285 = tpu.memref_slice %arg7[%dma_wait3A_284] : memref<104xi32, #tpu.memory_space<vmem>> -> memref<104xi32, #tpu.memory_space<vmem>>
      %dma_wait3A_286 = arith.constant 0 : i32
      %dma_wait3A_287 = arith.constant 0 : i32
      %dma_wait3A_288 = tpu.memref_slice %arg5[%dma_wait3A_286, %dma_wait3A_287] : memref<4736x128xf32, #tpu.memory_space<vmem_shared>> -> memref<4736x128xf32, #tpu.memory_space<vmem_shared>>
      tpu.wait_indirect_dma semaphore(%arg19 : memref<!tpu.dma_semaphore, #tpu.memory_space<semaphore_mem>>) src(%dma_wait3A_288 : memref<4736x128xf32, #tpu.memory_space<vmem_shared>>) dst(%dma_wait3A_283 : memref<104x128xf32, #tpu.memory_space<vmem>>)
      %scan3A_289 = arith.constant 0 : i32
      %scan3A_290 = arith.constant 0 : i32
      %scan3A_291 = arith.constant 104 : i32
      %scan3A_292 = arith.addi %scan3A_290, %scan3A_291 : i32
      %scan3A_293 = arith.constant 1 : i32
      %scan3A_294 = scf.for %scan3A_390 = %scan3A_290 to %scan3A_292 step %scan3A_293 iter_args(%scan3A_391 = %scan3A_289) -> (i32)  : i32 {
        %get3A = arith.index_cast %scan3A_390 : i32 to index
        %get3A_392 = arith.constant 0 : index
        %get3A_393 = tpu.vector_load %arg11[%get3A, %get3A_392] {strides = array<i32>} : memref<104x128xf32, #tpu.memory_space<vmem>>, vector<1x16xf32>,
        %get3A_394 = vector.shape_cast %get3A_393 : vector<1x16xf32> to vector<16xf32>
        %swap3A = arith.index_cast %scan3A_390 : i32 to index
        %swap3A_395 = arith.constant 0 : index
        %swap3A_396 = tpu.vector_load %arg13[%swap3A, %swap3A_395] {strides = array<i32>} : memref<104x64xf32, #tpu.memory_space<vmem>>, vector<1x16xf32>,
        %swap3A_397 = vector.shape_cast %swap3A_396 : vector<1x16xf32> to vector<16xf32>
        %swap3A_398 = vector.shape_cast %get3A_394 : vector<16xf32> to vector<1x16xf32>
        tpu.vector_store %arg13[%swap3A, %swap3A_395], %swap3A_398 {strides = array<i32>} : memref<104x64xf32, #tpu.memory_space<vmem>>, vector<1x16xf32>,
        %get3A_399 = arith.index_cast %scan3A_390 : i32 to index
        %get3A_400 = arith.constant 16 : index
        %get3A_401 = tpu.vector_load %arg11[%get3A_399, %get3A_400] {strides = array<i32>} : memref<104x128xf32, #tpu.memory_space<vmem>>, vector<1x16xf32>,
        %get3A_402 = vector.shape_cast %get3A_401 : vector<1x16xf32> to vector<16xf32>
        %swap3A_403 = arith.index_cast %scan3A_390 : i32 to index
        %swap3A_404 = arith.constant 16 : index
        %swap3A_405 = tpu.vector_load %arg13[%swap3A_403, %swap3A_404] {strides = array<i32>} : memref<104x64xf32, #tpu.memory_space<vmem>>, vector<1x16xf32>,
        %swap3A_406 = vector.shape_cast %swap3A_405 : vector<1x16xf32> to vector<16xf32>
        %swap3A_407 = vector.shape_cast %get3A_402 : vector<16xf32> to vector<1x16xf32>
        tpu.vector_store %arg13[%swap3A_403, %swap3A_404], %swap3A_407 {strides = array<i32>} : memref<104x64xf32, #tpu.memory_space<vmem>>, vector<1x16xf32>,
        %get3A_408 = arith.index_cast %scan3A_390 : i32 to index
        %get3A_409 = arith.constant 32 : index
        %get3A_410 = tpu.vector_load %arg11[%get3A_408, %get3A_409] {strides = array<i32>} : memref<104x128xf32, #tpu.memory_space<vmem>>, vector<1x16xf32>,
        %get3A_411 = vector.shape_cast %get3A_410 : vector<1x16xf32> to vector<16xf32>
        %swap3A_412 = arith.index_cast %scan3A_390 : i32 to index
        %swap3A_413 = arith.constant 32 : index
        %swap3A_414 = tpu.vector_load %arg13[%swap3A_412, %swap3A_413] {strides = array<i32>} : memref<104x64xf32, #tpu.memory_space<vmem>>, vector<1x16xf32>,
        %swap3A_415 = vector.shape_cast %swap3A_414 : vector<1x16xf32> to vector<16xf32>
        %swap3A_416 = vector.shape_cast %get3A_411 : vector<16xf32> to vector<1x16xf32>
        tpu.vector_store %arg13[%swap3A_412, %swap3A_413], %swap3A_416 {strides = array<i32>} : memref<104x64xf32, #tpu.memory_space<vmem>>, vector<1x16xf32>,
        %get3A_417 = arith.index_cast %scan3A_390 : i32 to index
        %get3A_418 = arith.constant 48 : index
        %get3A_419 = tpu.vector_load %arg11[%get3A_417, %get3A_418] {strides = array<i32>} : memref<104x128xf32, #tpu.memory_space<vmem>>, vector<1x16xf32>,
        %get3A_420 = vector.shape_cast %get3A_419 : vector<1x16xf32> to vector<16xf32>
        %swap3A_421 = arith.index_cast %scan3A_390 : i32 to index
        %swap3A_422 = arith.constant 48 : index
        %swap3A_423 = tpu.vector_load %arg13[%swap3A_421, %swap3A_422] {strides = array<i32>} : memref<104x64xf32, #tpu.memory_space<vmem>>, vector<1x16xf32>,
        %swap3A_424 = vector.shape_cast %swap3A_423 : vector<1x16xf32> to vector<16xf32>
        %swap3A_425 = vector.shape_cast %get3A_420 : vector<16xf32> to vector<1x16xf32>
        tpu.vector_store %arg13[%swap3A_421, %swap3A_422], %swap3A_425 {strides = array<i32>} : memref<104x64xf32, #tpu.memory_space<vmem>>, vector<1x16xf32>,
        %scan3A_426 = arith.constant 0 : i32
        scf.yield %scan3A_426 : i32
      }
      %scan3A_295 = arith.constant 104 : i32
      %add3A_296 = arith.addi %mul3A_30, %sub3A_280 : i32
      %dma_start3A_297 = arith.constant 0 : i32
      %dma_start3A_298 = arith.constant 0 : i32
      %dma_start3A_299 = tpu.memref_slice %arg13[%dma_start3A_297, %dma_start3A_298] : memref<104x64xf32, #tpu.memory_space<vmem>> -> memref<104x64xf32, #tpu.memory_space<vmem>>
      %dma_start3A_300 = arith.constant 96 : i32
      %dma_start3A_301 = arith.constant 0 : i32
      %dma_start3A_302 = tpu.memref_slice %arg4[%add3A_296, %dma_start3A_300, %dma_start3A_301] : memref<4096x200x64xf32, #tpu.memory_space<hbm>> -> memref<1x104x64xf32, #tpu.memory_space<hbm>>
      %dma_start3A_303 = tpu.memref_squeeze %dma_start3A_302 : memref<1x104x64xf32, #tpu.memory_space<hbm>> -> memref<104x64xf32, #tpu.memory_space<hbm>>
      %dma_start3A_304 = arith.constant 96 : i32
      %dma_start3A_305 = arith.constant 0 : i32
      %dma_start3A_306 = tpu.memref_slice %arg4[%add3A_296, %dma_start3A_304, %dma_start3A_305] : memref<4096x200x64xf32, #tpu.memory_space<hbm>> -> memref<1x104x64xf32, #tpu.memory_space<hbm>>
      %dma_start3A_307 = tpu.memref_squeeze %dma_start3A_306 : memref<1x104x64xf32, #tpu.memory_space<hbm>> -> memref<104x64xf32, #tpu.memory_space<hbm>>
      %dma_start3A_308 = arith.constant 0 : i32
      %dma_start3A_309 = arith.constant 0 : i32
      %dma_start3A_310 = tpu.memref_slice %arg13[%dma_start3A_308, %dma_start3A_309] : memref<104x64xf32, #tpu.memory_space<vmem>> -> memref<104x64xf32, #tpu.memory_space<vmem>>
      tpu.enqueue_dma source(%dma_start3A_310 : memref<104x64xf32, #tpu.memory_space<vmem>>) target(%dma_start3A_307 : memref<104x64xf32, #tpu.memory_space<hbm>>) target_semaphore(%arg21 : memref<!tpu.dma_semaphore, #tpu.memory_space<semaphore_mem>>)
      %add3A_311 = arith.constant 1 : i32
      %add3A_312 = arith.addi %scan3A_133, %add3A_311 : i32
      %lt3A_313 = arith.constant 64 : i32
      %lt3A_314 = arith.cmpi slt, %add3A_312, %lt3A_313 : i32
      %convert_element_type3A_315 = arith.extui %lt3A_314 : i1 to i32
      %cond3A_316 = arith.constant 0 : i32
      %cond3A_317 = arith.cmpi ne, %convert_element_type3A_315, %cond3A_316 : i32
      scf.if %cond3A_317 {
        %mul3A_390 = arith.constant 2 : i32
        %mul3A_391 = arith.muli %scan3A_133, %mul3A_390 : i32
        %add3A_392 = arith.constant 2 : i32
        %add3A_393 = arith.addi %mul3A_391, %add3A_392 : i32
        %mul3A_394 = arith.constant 200 : i32
        %mul3A_395 = arith.muli %add3A_393, %mul3A_394 : i32
        %add3A_396 = arith.addi %mul3A_34, %mul3A_395 : i32
        %add3A_397 = arith.constant 96 : i32
        %add3A_398 = arith.addi %add3A_396, %add3A_397 : i32
        %dma_start3A_399 = arith.constant 0 : i32
        %dma_start3A_400 = tpu.memref_slice %arg7[%dma_start3A_399] : memref<104xi32, #tpu.memory_space<vmem>> -> memref<104xi32, #tpu.memory_space<vmem>>
        %dma_start3A_401 = tpu.memref_slice %arg3[%add3A_398] : memref<819200xi32, #tpu.memory_space<hbm>> -> memref<104xi32, #tpu.memory_space<hbm>>
        %dma_start3A_402 = arith.constant 0 : i32
        %dma_start3A_403 = tpu.memref_slice %arg7[%dma_start3A_402] : memref<104xi32, #tpu.memory_space<vmem>> -> memref<104xi32, #tpu.memory_space<vmem>>
        %dma_start3A_404 = tpu.memref_slice %arg3[%add3A_398] : memref<819200xi32, #tpu.memory_space<hbm>> -> memref<104xi32, #tpu.memory_space<hbm>>
        tpu.enqueue_dma source(%dma_start3A_404 : memref<104xi32, #tpu.memory_space<hbm>>) target(%dma_start3A_403 : memref<104xi32, #tpu.memory_space<vmem>>) target_semaphore(%arg15 : memref<!tpu.dma_semaphore, #tpu.memory_space<semaphore_mem>>)
      } else {
      }
      %mul3A_318 = arith.constant 200 : i32
      %mul3A_319 = arith.muli %add3A_244, %mul3A_318 : i32
      %add3A_320 = arith.addi %mul3A_34, %mul3A_319 : i32
      %add3A_321 = arith.constant 96 : i32
      %add3A_322 = arith.addi %add3A_320, %add3A_321 : i32
      %dma_wait3A_323 = arith.constant 0 : i32
      %dma_wait3A_324 = tpu.memref_slice %arg9[%dma_wait3A_323] : memref<104xi32, #tpu.memory_space<vmem>> -> memref<104xi32, #tpu.memory_space<vmem>>
      %dma_wait3A_325 = tpu.memref_slice %arg3[%add3A_322] : memref<819200xi32, #tpu.memory_space<hbm>> -> memref<104xi32, #tpu.memory_space<hbm>>
      %dma_wait3A_326 = arith.constant 0 : i32
      %dma_wait3A_327 = tpu.memref_slice %arg9[%dma_wait3A_326] : memref<104xi32, #tpu.memory_space<vmem>> -> memref<104xi32, #tpu.memory_space<vmem>>
      %dma_wait3A_328 = tpu.memref_slice %arg3[%add3A_322] : memref<819200xi32, #tpu.memory_space<hbm>> -> memref<104xi32, #tpu.memory_space<hbm>>
      tpu.wait_dma2 semaphore(%arg17 : memref<!tpu.dma_semaphore, #tpu.memory_space<semaphore_mem>>) src(%dma_wait3A_328 : memref<104xi32, #tpu.memory_space<hbm>>) dst(%dma_wait3A_327 : memref<104xi32, #tpu.memory_space<vmem>>)
      %add3A_329 = arith.addi %mul3A_30, %add3A_244 : i32
      %dma_wait3A_330 = arith.constant 0 : i32
      %dma_wait3A_331 = arith.constant 0 : i32
      %dma_wait3A_332 = tpu.memref_slice %arg13[%dma_wait3A_330, %dma_wait3A_331] : memref<104x64xf32, #tpu.memory_space<vmem>> -> memref<104x64xf32, #tpu.memory_space<vmem>>
      %dma_wait3A_333 = arith.constant 96 : i32
      %dma_wait3A_334 = arith.constant 0 : i32
      %dma_wait3A_335 = tpu.memref_slice %arg4[%add3A_329, %dma_wait3A_333, %dma_wait3A_334] : memref<4096x200x64xf32, #tpu.memory_space<hbm>> -> memref<1x104x64xf32, #tpu.memory_space<hbm>>
      %dma_wait3A_336 = tpu.memref_squeeze %dma_wait3A_335 : memref<1x104x64xf32, #tpu.memory_space<hbm>> -> memref<104x64xf32, #tpu.memory_space<hbm>>
      %dma_wait3A_337 = arith.constant 96 : i32
      %dma_wait3A_338 = arith.constant 0 : i32
      %dma_wait3A_339 = tpu.memref_slice %arg4[%add3A_329, %dma_wait3A_337, %dma_wait3A_338] : memref<4096x200x64xf32, #tpu.memory_space<hbm>> -> memref<1x104x64xf32, #tpu.memory_space<hbm>>
      %dma_wait3A_340 = tpu.memref_squeeze %dma_wait3A_339 : memref<1x104x64xf32, #tpu.memory_space<hbm>> -> memref<104x64xf32, #tpu.memory_space<hbm>>
      %dma_wait3A_341 = arith.constant 0 : i32
      %dma_wait3A_342 = arith.constant 0 : i32
      %dma_wait3A_343 = tpu.memref_slice %arg13[%dma_wait3A_341, %dma_wait3A_342] : memref<104x64xf32, #tpu.memory_space<vmem>> -> memref<104x64xf32, #tpu.memory_space<vmem>>
      tpu.wait_dma2 semaphore(%arg21 : memref<!tpu.dma_semaphore, #tpu.memory_space<semaphore_mem>>) src(%dma_wait3A_343 : memref<104x64xf32, #tpu.memory_space<vmem>>) dst(%dma_wait3A_340 : memref<104x64xf32, #tpu.memory_space<hbm>>)
      %dma_start3A_344 = arith.constant 0 : i32
      %dma_start3A_345 = arith.constant 0 : i32
      %dma_start3A_346 = tpu.memref_slice %arg11[%dma_start3A_344, %dma_start3A_345] : memref<104x128xf32, #tpu.memory_space<vmem>> -> memref<104x128xf32, #tpu.memory_space<vmem>>
      %dma_start3A_347 = arith.constant 0 : i32
      %dma_start3A_348 = tpu.memref_slice %arg9[%dma_start3A_347] : memref<104xi32, #tpu.memory_space<vmem>> -> memref<104xi32, #tpu.memory_space<vmem>>
      %dma_start3A_349 = arith.constant 0 : i32
      %dma_start3A_350 = arith.constant 0 : i32
      %dma_start3A_351 = tpu.memref_slice %arg5[%dma_start3A_349, %dma_start3A_350] : memref<4736x128xf32, #tpu.memory_space<vmem_shared>> -> memref<4736x128xf32, #tpu.memory_space<vmem_shared>>
      tpu.enqueue_indirect_dma source(%dma_start3A_351 : memref<4736x128xf32, #tpu.memory_space<vmem_shared>>) target(%dma_start3A_346 : memref<104x128xf32, #tpu.memory_space<vmem>>) offsets(%dma_start3A_348 : memref<104xi32, #tpu.memory_space<vmem>>) semaphore(%arg19 : memref<!tpu.dma_semaphore, #tpu.memory_space<semaphore_mem>>)
      %dma_wait3A_352 = arith.constant 0 : i32
      %dma_wait3A_353 = arith.constant 0 : i32
      %dma_wait3A_354 = tpu.memref_slice %arg10[%dma_wait3A_352, %dma_wait3A_353] : memref<104x128xf32, #tpu.memory_space<vmem>> -> memref<96x128xf32, #tpu.memory_space<vmem>>
      %dma_wait3A_355 = arith.constant 0 : i32
      %dma_wait3A_356 = tpu.memref_slice %arg8[%dma_wait3A_355] : memref<104xi32, #tpu.memory_space<vmem>> -> memref<96xi32, #tpu.memory_space<vmem>>
      %dma_wait3A_357 = arith.constant 0 : i32
      %dma_wait3A_358 = arith.constant 0 : i32
      %dma_wait3A_359 = tpu.memref_slice %arg5[%dma_wait3A_357, %dma_wait3A_358] : memref<4736x128xf32, #tpu.memory_space<vmem_shared>> -> memref<4736x128xf32, #tpu.memory_space<vmem_shared>>
      tpu.wait_indirect_dma semaphore(%arg18 : memref<!tpu.dma_semaphore, #tpu.memory_space<semaphore_mem>>) src(%dma_wait3A_359 : memref<4736x128xf32, #tpu.memory_space<vmem_shared>>) dst(%dma_wait3A_354 : memref<96x128xf32, #tpu.memory_space<vmem>>)
      %scan3A_360 = arith.constant 0 : i32
      %scan3A_361 = arith.constant 0 : i32
      %scan3A_362 = arith.constant 96 : i32
      %scan3A_363 = arith.addi %scan3A_361, %scan3A_362 : i32
      %scan3A_364 = arith.constant 1 : i32
      %scan3A_365 = scf.for %scan3A_390 = %scan3A_361 to %scan3A_363 step %scan3A_364 iter_args(%scan3A_391 = %scan3A_360) -> (i32)  : i32 {
        %get3A = arith.index_cast %scan3A_390 : i32 to index
        %get3A_392 = arith.constant 0 : index
        %get3A_393 = tpu.vector_load %arg10[%get3A, %get3A_392] {strides = array<i32>} : memref<104x128xf32, #tpu.memory_space<vmem>>, vector<1x16xf32>,
        %get3A_394 = vector.shape_cast %get3A_393 : vector<1x16xf32> to vector<16xf32>
        %swap3A = arith.index_cast %scan3A_390 : i32 to index
        %swap3A_395 = arith.constant 0 : index
        %swap3A_396 = tpu.vector_load %arg12[%swap3A, %swap3A_395] {strides = array<i32>} : memref<104x64xf32, #tpu.memory_space<vmem>>, vector<1x16xf32>,
        %swap3A_397 = vector.shape_cast %swap3A_396 : vector<1x16xf32> to vector<16xf32>
        %swap3A_398 = vector.shape_cast %get3A_394 : vector<16xf32> to vector<1x16xf32>
        tpu.vector_store %arg12[%swap3A, %swap3A_395], %swap3A_398 {strides = array<i32>} : memref<104x64xf32, #tpu.memory_space<vmem>>, vector<1x16xf32>,
        %get3A_399 = arith.index_cast %scan3A_390 : i32 to index
        %get3A_400 = arith.constant 16 : index
        %get3A_401 = tpu.vector_load %arg10[%get3A_399, %get3A_400] {strides = array<i32>} : memref<104x128xf32, #tpu.memory_space<vmem>>, vector<1x16xf32>,
        %get3A_402 = vector.shape_cast %get3A_401 : vector<1x16xf32> to vector<16xf32>
        %swap3A_403 = arith.index_cast %scan3A_390 : i32 to index
        %swap3A_404 = arith.constant 16 : index
        %swap3A_405 = tpu.vector_load %arg12[%swap3A_403, %swap3A_404] {strides = array<i32>} : memref<104x64xf32, #tpu.memory_space<vmem>>, vector<1x16xf32>,
        %swap3A_406 = vector.shape_cast %swap3A_405 : vector<1x16xf32> to vector<16xf32>
        %swap3A_407 = vector.shape_cast %get3A_402 : vector<16xf32> to vector<1x16xf32>
        tpu.vector_store %arg12[%swap3A_403, %swap3A_404], %swap3A_407 {strides = array<i32>} : memref<104x64xf32, #tpu.memory_space<vmem>>, vector<1x16xf32>,
        %get3A_408 = arith.index_cast %scan3A_390 : i32 to index
        %get3A_409 = arith.constant 32 : index
        %get3A_410 = tpu.vector_load %arg10[%get3A_408, %get3A_409] {strides = array<i32>} : memref<104x128xf32, #tpu.memory_space<vmem>>, vector<1x16xf32>,
        %get3A_411 = vector.shape_cast %get3A_410 : vector<1x16xf32> to vector<16xf32>
        %swap3A_412 = arith.index_cast %scan3A_390 : i32 to index
        %swap3A_413 = arith.constant 32 : index
        %swap3A_414 = tpu.vector_load %arg12[%swap3A_412, %swap3A_413] {strides = array<i32>} : memref<104x64xf32, #tpu.memory_space<vmem>>, vector<1x16xf32>,
        %swap3A_415 = vector.shape_cast %swap3A_414 : vector<1x16xf32> to vector<16xf32>
        %swap3A_416 = vector.shape_cast %get3A_411 : vector<16xf32> to vector<1x16xf32>
        tpu.vector_store %arg12[%swap3A_412, %swap3A_413], %swap3A_416 {strides = array<i32>} : memref<104x64xf32, #tpu.memory_space<vmem>>, vector<1x16xf32>,
        %get3A_417 = arith.index_cast %scan3A_390 : i32 to index
        %get3A_418 = arith.constant 48 : index
        %get3A_419 = tpu.vector_load %arg10[%get3A_417, %get3A_418] {strides = array<i32>} : memref<104x128xf32, #tpu.memory_space<vmem>>, vector<1x16xf32>,
        %get3A_420 = vector.shape_cast %get3A_419 : vector<1x16xf32> to vector<16xf32>
        %swap3A_421 = arith.index_cast %scan3A_390 : i32 to index
        %swap3A_422 = arith.constant 48 : index
        %swap3A_423 = tpu.vector_load %arg12[%swap3A_421, %swap3A_422] {strides = array<i32>} : memref<104x64xf32, #tpu.memory_space<vmem>>, vector<1x16xf32>,
        %swap3A_424 = vector.shape_cast %swap3A_423 : vector<1x16xf32> to vector<16xf32>
        %swap3A_425 = vector.shape_cast %get3A_420 : vector<16xf32> to vector<1x16xf32>
        tpu.vector_store %arg12[%swap3A_421, %swap3A_422], %swap3A_425 {strides = array<i32>} : memref<104x64xf32, #tpu.memory_space<vmem>>, vector<1x16xf32>,
        %scan3A_426 = arith.constant 0 : i32
        scf.yield %scan3A_426 : i32
      }
      %scan3A_366 = arith.constant 96 : i32
      %add3A_367 = arith.addi %mul3A_30, %add3A_244 : i32
      %dma_start3A_368 = arith.constant 0 : i32
      %dma_start3A_369 = arith.constant 0 : i32
      %dma_start3A_370 = tpu.memref_slice %arg12[%dma_start3A_368, %dma_start3A_369] : memref<104x64xf32, #tpu.memory_space<vmem>> -> memref<96x64xf32, #tpu.memory_space<vmem>>
      %dma_start3A_371 = arith.constant 0 : i32
      %dma_start3A_372 = arith.constant 0 : i32
      %dma_start3A_373 = tpu.memref_slice %arg4[%add3A_367, %dma_start3A_371, %dma_start3A_372] : memref<4096x200x64xf32, #tpu.memory_space<hbm>> -> memref<1x96x64xf32, #tpu.memory_space<hbm>>
      %dma_start3A_374 = tpu.memref_squeeze %dma_start3A_373 : memref<1x96x64xf32, #tpu.memory_space<hbm>> -> memref<96x64xf32, #tpu.memory_space<hbm>>
      %dma_start3A_375 = arith.constant 0 : i32
      %dma_start3A_376 = arith.constant 0 : i32
      %dma_start3A_377 = tpu.memref_slice %arg4[%add3A_367, %dma_start3A_375, %dma_start3A_376] : memref<4096x200x64xf32, #tpu.memory_space<hbm>> -> memref<1x96x64xf32, #tpu.memory_space<hbm>>
      %dma_start3A_378 = tpu.memref_squeeze %dma_start3A_377 : memref<1x96x64xf32, #tpu.memory_space<hbm>> -> memref<96x64xf32, #tpu.memory_space<hbm>>
      %dma_start3A_379 = arith.constant 0 : i32
      %dma_start3A_380 = arith.constant 0 : i32
      %dma_start3A_381 = tpu.memref_slice %arg12[%dma_start3A_379, %dma_start3A_380] : memref<104x64xf32, #tpu.memory_space<vmem>> -> memref<96x64xf32, #tpu.memory_space<vmem>>
      tpu.enqueue_dma source(%dma_start3A_381 : memref<96x64xf32, #tpu.memory_space<vmem>>) target(%dma_start3A_378 : memref<96x64xf32, #tpu.memory_space<hbm>>) target_semaphore(%arg20 : memref<!tpu.dma_semaphore, #tpu.memory_space<semaphore_mem>>)
      %add3A_382 = arith.constant 1 : i32
      %add3A_383 = arith.addi %scan3A_133, %add3A_382 : i32
      %lt3A_384 = arith.constant 64 : i32
      %lt3A_385 = arith.cmpi slt, %add3A_383, %lt3A_384 : i32
      %convert_element_type3A_386 = arith.extui %lt3A_385 : i1 to i32
      %cond3A_387 = arith.constant 0 : i32
      %cond3A_388 = arith.cmpi ne, %convert_element_type3A_386, %cond3A_387 : i32
      scf.if %cond3A_388 {
        %mul3A_390 = arith.constant 2 : i32
        %mul3A_391 = arith.muli %scan3A_133, %mul3A_390 : i32
        %add3A_392 = arith.constant 3 : i32
        %add3A_393 = arith.addi %mul3A_391, %add3A_392 : i32
        %mul3A_394 = arith.constant 200 : i32
        %mul3A_395 = arith.muli %add3A_393, %mul3A_394 : i32
        %add3A_396 = arith.addi %mul3A_34, %mul3A_395 : i32
        %add3A_397 = arith.constant 0 : i32
        %add3A_398 = arith.addi %add3A_396, %add3A_397 : i32
        %dma_start3A_399 = arith.constant 0 : i32
        %dma_start3A_400 = tpu.memref_slice %arg8[%dma_start3A_399] : memref<104xi32, #tpu.memory_space<vmem>> -> memref<96xi32, #tpu.memory_space<vmem>>
        %dma_start3A_401 = tpu.memref_slice %arg3[%add3A_398] : memref<819200xi32, #tpu.memory_space<hbm>> -> memref<96xi32, #tpu.memory_space<hbm>>
        %dma_start3A_402 = arith.constant 0 : i32
        %dma_start3A_403 = tpu.memref_slice %arg8[%dma_start3A_402] : memref<104xi32, #tpu.memory_space<vmem>> -> memref<96xi32, #tpu.memory_space<vmem>>
        %dma_start3A_404 = tpu.memref_slice %arg3[%add3A_398] : memref<819200xi32, #tpu.memory_space<hbm>> -> memref<96xi32, #tpu.memory_space<hbm>>
        tpu.enqueue_dma source(%dma_start3A_404 : memref<96xi32, #tpu.memory_space<hbm>>) target(%dma_start3A_403 : memref<96xi32, #tpu.memory_space<vmem>>) target_semaphore(%arg16 : memref<!tpu.dma_semaphore, #tpu.memory_space<semaphore_mem>>)
      } else {
      }
      %scan3A_389 = arith.constant 0 : i32
      scf.yield %scan3A_389 : i32
    }
    %scan3A_70 = arith.constant 64 : i32
    %dma_wait3A = arith.constant 0 : i32
    %dma_wait3A_71 = arith.constant 0 : i32
    %dma_wait3A_72 = tpu.memref_slice %arg11[%dma_wait3A, %dma_wait3A_71] : memref<104x128xf32, #tpu.memory_space<vmem>> -> memref<104x128xf32, #tpu.memory_space<vmem>>
    %dma_wait3A_73 = arith.constant 0 : i32
    %dma_wait3A_74 = tpu.memref_slice %arg9[%dma_wait3A_73] : memref<104xi32, #tpu.memory_space<vmem>> -> memref<104xi32, #tpu.memory_space<vmem>>
    %dma_wait3A_75 = arith.constant 0 : i32
    %dma_wait3A_76 = arith.constant 0 : i32
    %dma_wait3A_77 = tpu.memref_slice %arg5[%dma_wait3A_75, %dma_wait3A_76] : memref<4736x128xf32, #tpu.memory_space<vmem_shared>> -> memref<4736x128xf32, #tpu.memory_space<vmem_shared>>
    tpu.wait_indirect_dma semaphore(%arg19 : memref<!tpu.dma_semaphore, #tpu.memory_space<semaphore_mem>>) src(%dma_wait3A_77 : memref<4736x128xf32, #tpu.memory_space<vmem_shared>>) dst(%dma_wait3A_72 : memref<104x128xf32, #tpu.memory_space<vmem>>)
    %scan3A_78 = arith.constant 0 : i32
    %scan3A_79 = arith.constant 0 : i32
    %scan3A_80 = arith.constant 104 : i32
    %scan3A_81 = arith.addi %scan3A_79, %scan3A_80 : i32
    %scan3A_82 = arith.constant 1 : i32
    %scan3A_83 = scf.for %scan3A_133 = %scan3A_79 to %scan3A_81 step %scan3A_82 iter_args(%scan3A_134 = %scan3A_78) -> (i32)  : i32 {
      %get3A = arith.index_cast %scan3A_133 : i32 to index
      %get3A_135 = arith.constant 0 : index
      %get3A_136 = tpu.vector_load %arg11[%get3A, %get3A_135] {strides = array<i32>} : memref<104x128xf32, #tpu.memory_space<vmem>>, vector<1x16xf32>,
      %get3A_137 = vector.shape_cast %get3A_136 : vector<1x16xf32> to vector<16xf32>
      %swap3A = arith.index_cast %scan3A_133 : i32 to index
      %swap3A_138 = arith.constant 0 : index
      %swap3A_139 = tpu.vector_load %arg13[%swap3A, %swap3A_138] {strides = array<i32>} : memref<104x64xf32, #tpu.memory_space<vmem>>, vector<1x16xf32>,
      %swap3A_140 = vector.shape_cast %swap3A_139 : vector<1x16xf32> to vector<16xf32>
      %swap3A_141 = vector.shape_cast %get3A_137 : vector<16xf32> to vector<1x16xf32>
      tpu.vector_store %arg13[%swap3A, %swap3A_138], %swap3A_141 {strides = array<i32>} : memref<104x64xf32, #tpu.memory_space<vmem>>, vector<1x16xf32>,
      %get3A_142 = arith.index_cast %scan3A_133 : i32 to index
      %get3A_143 = arith.constant 16 : index
      %get3A_144 = tpu.vector_load %arg11[%get3A_142, %get3A_143] {strides = array<i32>} : memref<104x128xf32, #tpu.memory_space<vmem>>, vector<1x16xf32>,
      %get3A_145 = vector.shape_cast %get3A_144 : vector<1x16xf32> to vector<16xf32>
      %swap3A_146 = arith.index_cast %scan3A_133 : i32 to index
      %swap3A_147 = arith.constant 16 : index
      %swap3A_148 = tpu.vector_load %arg13[%swap3A_146, %swap3A_147] {strides = array<i32>} : memref<104x64xf32, #tpu.memory_space<vmem>>, vector<1x16xf32>,
      %swap3A_149 = vector.shape_cast %swap3A_148 : vector<1x16xf32> to vector<16xf32>
      %swap3A_150 = vector.shape_cast %get3A_145 : vector<16xf32> to vector<1x16xf32>
      tpu.vector_store %arg13[%swap3A_146, %swap3A_147], %swap3A_150 {strides = array<i32>} : memref<104x64xf32, #tpu.memory_space<vmem>>, vector<1x16xf32>,
      %get3A_151 = arith.index_cast %scan3A_133 : i32 to index
      %get3A_152 = arith.constant 32 : index
      %get3A_153 = tpu.vector_load %arg11[%get3A_151, %get3A_152] {strides = array<i32>} : memref<104x128xf32, #tpu.memory_space<vmem>>, vector<1x16xf32>,
      %get3A_154 = vector.shape_cast %get3A_153 : vector<1x16xf32> to vector<16xf32>
      %swap3A_155 = arith.index_cast %scan3A_133 : i32 to index
      %swap3A_156 = arith.constant 32 : index
      %swap3A_157 = tpu.vector_load %arg13[%swap3A_155, %swap3A_156] {strides = array<i32>} : memref<104x64xf32, #tpu.memory_space<vmem>>, vector<1x16xf32>,
      %swap3A_158 = vector.shape_cast %swap3A_157 : vector<1x16xf32> to vector<16xf32>
      %swap3A_159 = vector.shape_cast %get3A_154 : vector<16xf32> to vector<1x16xf32>
      tpu.vector_store %arg13[%swap3A_155, %swap3A_156], %swap3A_159 {strides = array<i32>} : memref<104x64xf32, #tpu.memory_space<vmem>>, vector<1x16xf32>,
      %get3A_160 = arith.index_cast %scan3A_133 : i32 to index
      %get3A_161 = arith.constant 48 : index
      %get3A_162 = tpu.vector_load %arg11[%get3A_160, %get3A_161] {strides = array<i32>} : memref<104x128xf32, #tpu.memory_space<vmem>>, vector<1x16xf32>,
      %get3A_163 = vector.shape_cast %get3A_162 : vector<1x16xf32> to vector<16xf32>
      %swap3A_164 = arith.index_cast %scan3A_133 : i32 to index
      %swap3A_165 = arith.constant 48 : index
      %swap3A_166 = tpu.vector_load %arg13[%swap3A_164, %swap3A_165] {strides = array<i32>} : memref<104x64xf32, #tpu.memory_space<vmem>>, vector<1x16xf32>,
      %swap3A_167 = vector.shape_cast %swap3A_166 : vector<1x16xf32> to vector<16xf32>
      %swap3A_168 = vector.shape_cast %get3A_163 : vector<16xf32> to vector<1x16xf32>
      tpu.vector_store %arg13[%swap3A_164, %swap3A_165], %swap3A_168 {strides = array<i32>} : memref<104x64xf32, #tpu.memory_space<vmem>>, vector<1x16xf32>,
      %scan3A_169 = arith.constant 0 : i32
      scf.yield %scan3A_169 : i32
    }
    %scan3A_84 = arith.constant 104 : i32
    %add3A_85 = arith.constant 127 : i32
    %add3A_86 = arith.addi %mul3A_30, %add3A_85 : i32
    %dma_start3A_87 = arith.constant 0 : i32
    %dma_start3A_88 = arith.constant 0 : i32
    %dma_start3A_89 = tpu.memref_slice %arg13[%dma_start3A_87, %dma_start3A_88] : memref<104x64xf32, #tpu.memory_space<vmem>> -> memref<104x64xf32, #tpu.memory_space<vmem>>
    %dma_start3A_90 = arith.constant 96 : i32
    %dma_start3A_91 = arith.constant 0 : i32
    %dma_start3A_92 = tpu.memref_slice %arg4[%add3A_86, %dma_start3A_90, %dma_start3A_91] : memref<4096x200x64xf32, #tpu.memory_space<hbm>> -> memref<1x104x64xf32, #tpu.memory_space<hbm>>
    %dma_start3A_93 = tpu.memref_squeeze %dma_start3A_92 : memref<1x104x64xf32, #tpu.memory_space<hbm>> -> memref<104x64xf32, #tpu.memory_space<hbm>>
    %dma_start3A_94 = arith.constant 96 : i32
    %dma_start3A_95 = arith.constant 0 : i32
    %dma_start3A_96 = tpu.memref_slice %arg4[%add3A_86, %dma_start3A_94, %dma_start3A_95] : memref<4096x200x64xf32, #tpu.memory_space<hbm>> -> memref<1x104x64xf32, #tpu.memory_space<hbm>>
    %dma_start3A_97 = tpu.memref_squeeze %dma_start3A_96 : memref<1x104x64xf32, #tpu.memory_space<hbm>> -> memref<104x64xf32, #tpu.memory_space<hbm>>
    %dma_start3A_98 = arith.constant 0 : i32
    %dma_start3A_99 = arith.constant 0 : i32
    %dma_start3A_100 = tpu.memref_slice %arg13[%dma_start3A_98, %dma_start3A_99] : memref<104x64xf32, #tpu.memory_space<vmem>> -> memref<104x64xf32, #tpu.memory_space<vmem>>
    tpu.enqueue_dma source(%dma_start3A_100 : memref<104x64xf32, #tpu.memory_space<vmem>>) target(%dma_start3A_97 : memref<104x64xf32, #tpu.memory_space<hbm>>) target_semaphore(%arg21 : memref<!tpu.dma_semaphore, #tpu.memory_space<semaphore_mem>>)
    %add3A_101 = arith.constant 127 : i32
    %add3A_102 = arith.addi %mul3A_30, %add3A_101 : i32
    %dma_wait3A_103 = arith.constant 0 : i32
    %dma_wait3A_104 = arith.constant 0 : i32
    %dma_wait3A_105 = tpu.memref_slice %arg12[%dma_wait3A_103, %dma_wait3A_104] : memref<104x64xf32, #tpu.memory_space<vmem>> -> memref<96x64xf32, #tpu.memory_space<vmem>>
    %dma_wait3A_106 = arith.constant 0 : i32
    %dma_wait3A_107 = arith.constant 0 : i32
    %dma_wait3A_108 = tpu.memref_slice %arg4[%add3A_102, %dma_wait3A_106, %dma_wait3A_107] : memref<4096x200x64xf32, #tpu.memory_space<hbm>> -> memref<1x96x64xf32, #tpu.memory_space<hbm>>
    %dma_wait3A_109 = tpu.memref_squeeze %dma_wait3A_108 : memref<1x96x64xf32, #tpu.memory_space<hbm>> -> memref<96x64xf32, #tpu.memory_space<hbm>>
    %dma_wait3A_110 = arith.constant 0 : i32
    %dma_wait3A_111 = arith.constant 0 : i32
    %dma_wait3A_112 = tpu.memref_slice %arg4[%add3A_102, %dma_wait3A_110, %dma_wait3A_111] : memref<4096x200x64xf32, #tpu.memory_space<hbm>> -> memref<1x96x64xf32, #tpu.memory_space<hbm>>
    %dma_wait3A_113 = tpu.memref_squeeze %dma_wait3A_112 : memref<1x96x64xf32, #tpu.memory_space<hbm>> -> memref<96x64xf32, #tpu.memory_space<hbm>>
    %dma_wait3A_114 = arith.constant 0 : i32
    %dma_wait3A_115 = arith.constant 0 : i32
    %dma_wait3A_116 = tpu.memref_slice %arg12[%dma_wait3A_114, %dma_wait3A_115] : memref<104x64xf32, #tpu.memory_space<vmem>> -> memref<96x64xf32, #tpu.memory_space<vmem>>
    tpu.wait_dma2 semaphore(%arg20 : memref<!tpu.dma_semaphore, #tpu.memory_space<semaphore_mem>>) src(%dma_wait3A_116 : memref<96x64xf32, #tpu.memory_space<vmem>>) dst(%dma_wait3A_113 : memref<96x64xf32, #tpu.memory_space<hbm>>)
    %add3A_117 = arith.constant 127 : i32
    %add3A_118 = arith.addi %mul3A_30, %add3A_117 : i32
    %dma_wait3A_119 = arith.constant 0 : i32
    %dma_wait3A_120 = arith.constant 0 : i32
    %dma_wait3A_121 = tpu.memref_slice %arg13[%dma_wait3A_119, %dma_wait3A_120] : memref<104x64xf32, #tpu.memory_space<vmem>> -> memref<104x64xf32, #tpu.memory_space<vmem>>
    %dma_wait3A_122 = arith.constant 96 : i32
    %dma_wait3A_123 = arith.constant 0 : i32
    %dma_wait3A_124 = tpu.memref_slice %arg4[%add3A_118, %dma_wait3A_122, %dma_wait3A_123] : memref<4096x200x64xf32, #tpu.memory_space<hbm>> -> memref<1x104x64xf32, #tpu.memory_space<hbm>>
    %dma_wait3A_125 = tpu.memref_squeeze %dma_wait3A_124 : memref<1x104x64xf32, #tpu.memory_space<hbm>> -> memref<104x64xf32, #tpu.memory_space<hbm>>
    %dma_wait3A_126 = arith.constant 96 : i32
    %dma_wait3A_127 = arith.constant 0 : i32
    %dma_wait3A_128 = tpu.memref_slice %arg4[%add3A_118, %dma_wait3A_126, %dma_wait3A_127] : memref<4096x200x64xf32, #tpu.memory_space<hbm>> -> memref<1x104x64xf32, #tpu.memory_space<hbm>>
    %dma_wait3A_129 = tpu.memref_squeeze %dma_wait3A_128 : memref<1x104x64xf32, #tpu.memory_space<hbm>> -> memref<104x64xf32, #tpu.memory_space<hbm>>
    %dma_wait3A_130 = arith.constant 0 : i32
    %dma_wait3A_131 = arith.constant 0 : i32
    %dma_wait3A_132 = tpu.memref_slice %arg13[%dma_wait3A_130, %dma_wait3A_131] : memref<104x64xf32, #tpu.memory_space<vmem>> -> memref<104x64xf32, #tpu.memory_space<vmem>>
    tpu.wait_dma2 semaphore(%arg21 : memref<!tpu.dma_semaphore, #tpu.memory_space<semaphore_mem>>) src(%dma_wait3A_132 : memref<104x64xf32, #tpu.memory_space<vmem>>) dst(%dma_wait3A_129 : memref<104x64xf32, #tpu.memory_space<hbm>>)
    return
  }
}

</mosaic_0001>

<sc_bundles>
// kernel: kernel.3.cloned.1.call-start
scs
__scs_entry_jumppad:
0x0: {  	(pc) =	sbr.rel $0x88, $3  }
0x1: {  	(tag) =	ssettag $0x0;
	lr =	simm.s32 $0x1  }
0x2: {  	[smem:$0x3F9F] =	sst lr;
	_ =	strace $0xD0000000  }
0x3: {  	_ = 	snop  }
0x4: {  	_ = 	snop  }
0x5: {  	_ = 	snop  }
0x6: {  	_ = 	snop  }
0x7: {  	_ = 	snop  }
__scs_overlays_trampoline_lowered:
0x8: {  	[smem:$0x3FAE] =	sst s0  }
0x9: {  	[smem:$0x3FAF] =	sst s1  }
0xa: {  	[smem:$0x3FB0] =	sst s2  }
0xb: {  	[smem:$0x3FB1] =	sst s3  }
0xc: {  	[smem:$0x3FB2] =	sst s4  }
0xd: {  	[smem:$0x3FB3] =	sst s5  }
0xe: {  	[smem:$0x3FB4] =	sst s6  }
0xf: {  	[smem:$0x3FB5] =	sst s7  }
0x10: {  	[smem:$0x3FB6] =	sst s8  }
0x11: {  	[smem:$0x3FB7] =	sst s9;
	s0 =	simm.s32 @!p0 $0x0  }
0x12: {  	s1 =	sld [smem:$0x3F9D];
	s0 =	simm.s32 @p0 $0x1  }
0x13: {  	[smem:$0x3FB8] =	sst s0;
	s0 =	simm.s32 @!p1 $0x0  }
0x14: {  	s2 =	sld [smem:$0x3F9C];
	s0 =	simm.s32 @p1 $0x1  }
0x15: {  	[smem:$0x3FB9] =	sst s0;
	s0 =	simm.s32 @!p2 $0x0  }
0x16: {  	s3 =	sld [smem:$0x3FDB];
	s0 =	simm.s32 @p2 $0x1  }
0x17: {  	s4 =	simm.s32 $0x1BF5;
	[smem:$0x3FBB] =	sst s0  }
0x18: {  	s0 =	sld [smem:$0x3F9E];
	_ =	swait.ge [sflag:s4], $0x0  }
0x19: {  	s7 =	sld [smem:$0x3F9F]  }
0x1a: {  	s8 =	sadd.s32 $0xFFFFE003, lr  }
0x1b: {  	s9 =	sadd.s32 $0xFFFFFEF7, lr;
	s5 =	simm.s32 $0xFFFFFFFF;
	p2 =	slt.u32 s8, $0xFFFFF086  }
0x1c: {  	p1 =	slt.u32 s9, $0xF7A;
	s5 =	simm.s32 @!p2 $0x0  }
0x1d: {  	s5 =	simm.s32 @p1 $0x1;
	p0 =	seq.s32 s7, s2  }
0x1e: {  	s7 =	smul.u32 @!p0 $0xF7A, s2;
	p2 =	seq.s32 @!p0 s5, $0x0  }
0x1f: {  	s9 =	smul.u32 $0xF7A, s1;
	s8 =	simm.s32 @!p0 $0x1BF5;
	p2 =	por !p2, p0  }
0x20: {  	[sflag:s8] =	ssyncset.s32 @!p0 $0xFFFFF086;
	s6 =	sadd.s32 @!p0 s3, s7;
	s7 =	simm.s32 @!p0 $0x108  }
0x21: {  	s3 =	sadd.s32 s3, s9;
	s6 =	sadd.s32 @!p0 $0x88, s6;
	s7 =	simm.s32 @p2 $0x1082  }
0x22: {  	[simem:s7], [sflag:s8] =	dma.local @!p0 [hbm:s6], $0xF7A  }
0x23: {  	s9 =	sor.u32 $0xD0000000, s2;
	s6 =	simm.s32 $0x108;
	_ =	swait.ge @!p0 [sflag:s8], $0x0  }
0x24: {  	s3 =	sadd.s32 $0x88, s3;
	s6 =	simm.s32 @!p1 $0x1082;
	[sflag:s4] =	ssyncset.s32 $0xFFFFF086  }
0x25: {  	[simem:s6], [sflag:s4] =	dma.local [hbm:s3], $0xF7A  }
0x26: {  	[smem:$0x3F9F] =	sst s1;
	(tag) =	ssettag s2;
	_ =	strace s9  }
0x27: {  	s1 =	sld [smem:$0x3FAF]  }
0x28: {  	s2 =	sld [smem:$0x3FB0]  }
0x29: {  	s4 =	sld [smem:$0x3FB2]  }
0x2a: {  	p0 =	seq.s32 s5, $0x0;
	s5 =	sld [smem:$0x3FB3]  }
0x2b: {  	s6 =	sld [smem:$0x3FB4]  }
0x2c: {  	s7 =	sld [smem:$0x3FB5]  }
0x2d: {  	s3 =	simm.s32 $0x108;
	s8 =	sld [smem:$0x3FB6]  }
0x2e: {  	s3 =	simm.s32 @!p0 $0x1082;
	s9 =	sld [smem:$0x3FB7]  }
0x2f: {  	lr =	sadd.s32 s0, s3;
	s0 =	sld [smem:$0x3FAE]  }
0x30: {  	s3 =	sld [smem:$0x3FB1]  }
0x31: {  	[smem:$0x3FBA] =	sst s10  }
0x32: {  	s10 =	sld [smem:$0x3FB8];
	_ =	sdelay $0x3  }
0x33: {  	p0 =	seq.s32 s10, $0x1;
	s10 =	sld [smem:$0x3FBA];
	_ =	sdelay $0x3  }
0x34: {  	[smem:$0x3FBA] =	sst s10  }
0x35: {  	s10 =	sld [smem:$0x3FB9];
	_ =	sdelay $0x3  }
0x36: {  	p1 =	seq.s32 s10, $0x1;
	s10 =	sld [smem:$0x3FBA];
	_ =	sdelay $0x3  }
0x37: {  	[smem:$0x3FBA] =	sst s10  }
0x38: {  	s10 =	sld [smem:$0x3FBB]  }
0x39: {  	_ = 	snop;
	(pc) =	sbr.ind lr, $3  }
0x3a: {  	_ = 	snop  }
0x3b: {  	_ = 	snop  }
0x3c: {  	p2 =	seq.s32 s10, $0x1;
	s10 =	sld [smem:$0x3FBA]  }
0x3d: {  	_ =	shalt  }
0x3e: {  	_ =	shalt  }
0x3f: {  	_ =	shalt  }
0x40: {  	_ =	shalt  }
0x41: {  	_ =	shalt  }
0x42: {  	_ =	shalt  }
0x43: {  	_ =	shalt  }
0x44: {  	_ =	shalt  }
0x45: {  	_ =	shalt  }
0x46: {  	_ =	shalt  }
0x47: {  	_ =	shalt  }
0x48: {  	_ =	shalt  }
0x49: {  	_ =	shalt  }
0x4a: {  	_ =	shalt  }
0x4b: {  	_ =	shalt  }
0x4c: {  	_ =	shalt  }
0x4d: {  	_ =	shalt  }
0x4e: {  	_ =	shalt  }
0x4f: {  	_ =	shalt  }
0x50: {  	_ =	shalt  }
0x51: {  	_ =	shalt  }
0x52: {  	_ =	shalt  }
0x53: {  	_ =	shalt  }
0x54: {  	_ =	shalt  }
0x55: {  	_ =	shalt  }
0x56: {  	_ =	shalt  }
0x57: {  	_ =	shalt  }
0x58: {  	_ =	shalt  }
0x59: {  	_ =	shalt  }
0x5a: {  	_ =	shalt  }
0x5b: {  	_ =	shalt  }
0x5c: {  	_ =	shalt  }
0x5d: {  	_ =	shalt  }
0x5e: {  	_ =	shalt  }
0x5f: {  	_ =	shalt  }
0x60: {  	_ =	shalt  }
0x61: {  	_ =	shalt  }
0x62: {  	_ =	shalt  }
0x63: {  	_ =	shalt  }
0x64: {  	_ =	shalt  }
0x65: {  	_ =	shalt  }
0x66: {  	_ =	shalt  }
0x67: {  	_ =	shalt  }
0x68: {  	_ =	shalt  }
0x69: {  	_ =	shalt  }
0x6a: {  	_ =	shalt  }
0x6b: {  	_ =	shalt  }
0x6c: {  	_ =	shalt  }
0x6d: {  	_ =	shalt  }
0x6e: {  	_ =	shalt  }
0x6f: {  	_ =	shalt  }
0x70: {  	_ =	shalt  }
0x71: {  	_ =	shalt  }
0x72: {  	_ =	shalt  }
0x73: {  	_ =	shalt  }
0x74: {  	_ =	shalt  }
0x75: {  	_ =	shalt  }
0x76: {  	_ =	shalt  }
0x77: {  	_ =	shalt  }
0x78: {  	_ =	shalt  }
0x79: {  	_ =	shalt  }
0x7a: {  	_ =	shalt  }
0x7b: {  	_ =	shalt  }
0x7c: {  	_ =	shalt  }
0x7d: {  	_ =	shalt  }
0x7e: {  	_ =	shalt  }
0x7f: {  	_ =	shalt  }
0x80: {  	_ =	shalt  }
0x81: {  	_ =	shalt  }
0x82: {  	_ =	shalt  }
0x83: {  	_ =	shalt  }
0x84: {  	_ =	shalt  }
0x85: {  	_ =	shalt  }
0x86: {  	_ =	shalt  }
0x87: {  	_ =	shalt  }
.Lfunc_end0:
.L_simem_size_0:
called_computation_lowered:
.L_overlay_start_0:
0x88: {  	s2 =	sld [smem:$0x3FD9]  }
0x89: {  	s3 =	sld [smem:$0x3FFE];
	_ =	sdelay $0x1  }
0x8a: {  	s1 =	srdreg.scid  }
0x8b: {  	s0 =	sand.u32 $0x1, s1  }
0x8c: {  	s17 =	sshll.u32 s0, $0xA;
	s2 =	sadd.s32 s3, s2  }
0x8d: {  	s2 =	sadd.s32 s2, s17  }
0x8e: {  	[smem:$0x3FC6] =	sst s2  }
0x8f: {  	_ = 	snop  }
0x90: {  	s2 =	sld [smem:$0x3FD0];
	(tm) =	ssettm $0x1  }
0x91: {  	s18 =	sld [smem:$0x3FFB];
	_ =	sdelay $0x3  }
0x92: {  	_ =	strace s18  }
0x93: {  	s3 =	sld [smem:$0x3FFC];
	_ =	sdelay $0x3  }
0x94: {  	_ =	strace s3  }
0x95: {  	s3 =	sld [smem:$0x3FFD];
	_ =	sdelay $0x3  }
0x96: {  	_ =	strace s3  }
0x97: {  	_ =	strace $0x8FFFFFFF  }
0x98: {  	s19 =	sld [smem:$0x3FDB];
	_ =	sdelay $0x1  }
0x99: {  	s4 =	simm.s32 $_scs_section_size  }
0x9a: {  	s5 =	simm.s32 $_size__tile_overlayer_lowered;
	s6 =	simm.s32 $_tile_overlayer_lowered  }
0x9b: {  	s22 =	simm.s32 $0x1BFF;
	s21 =	sshll.u32 s6, $0x1;
	s3 =	sadd.s32 s4, s19  }
0x9c: {  	s7 =	simm.s32 $0x0;
	s20 =	sshll.u32 s5, $0x1;
	s5 =	sadd.s32 s21, s3  }
0x9d: {  	[timem:s7], [sflag:s22] =	dma.local [hbm:s5], s20  }
0x9e: {  	_ =	swait.ge [sflag:s22], s20  }
0x9f: {  	s4 =	ssub.s32 $0x0, s20;
	[sflag:s22] =	ssyncset.done $0x0  }
0xa0: {  	[sflag:s22] =	ssyncadd.s32 s4;
	_ =	sdelay $0x1  }
0xa1: {  	s23 =	simm.s32 $0x1B8B  }
0xa2: {  	_ =	swait.ge [sflag:s23], $0x1  }
0xa3: {  	[sflag:s23] =	ssyncset.done $0x0  }
0xa4: {  	s25 =	simm.s32 $0x1B8E;
	s24 =	sld [smem:$0x3FFE];
	[sflag:s23] =	ssyncadd.s32 $0xFFFFFFFF  }
0xa5: {  	s26 =	simm.s32 $execute0_lowered;
	[smem:$0x3FD2] =	sst s25  }
0xa6: {  	s5 =	sshll.u32 s26, $0x1;
	_ =	strace $0x80000046;
	[dreg:$0x1] =	wrdreg $0xFFFFFFFF  }
0xa7: {  	s28 =	simm.s32 $_size_execute0_lowered;
	s3 =	sadd.s32 s3, s5;
	[dreg:$0x0] =	wrdreg $0x0  }
0xa8: {  	s5 =	sshll.u32 s28, $0x1;
	[dreg:$0x2] =	wrdreg s3  }
0xa9: {  	[dreg:$0x3] =	wrdreg s5  }
0xaa: {  	[dreg:$0x4] =	wrdreg $0xC0  }
0xab: {  	_ =	task [dreg:s7], $0x5FFFF  }
0xac: {  	[dreg:$0x1] =	wrdreg $0xFFFFFFFF  }
0xad: {  	[dreg:$0x0] =	wrdreg $0x60  }
0xae: {  	[dreg:$0x2] =	wrdreg s24  }
0xaf: {  	[dreg:$0x3] =	wrdreg s2  }
0xb0: {  	[dreg:$0x4] =	wrdreg $0x0  }
0xb1: {  	[dreg:$0x5] =	wrdreg $0x9  }
0xb2: {  	_ =	task.clear_ibuf [dreg:s7], $0x6FFFF;
	_ =	strace $0x90000046  }
0xb3: {  	s29 =	simm.s32 $0x9;
	_ =	strace $0x80000048  }
0xb4: {  	_ =	swait.ge [sflag:s29], $0x1  }
0xb5: {  	[sflag:s29] =	ssyncadd.s32 $0xFFFFFFFF  }
0xb6: {  	_ =	strace $0x90000048  }
0xb7: {  	_ =	sfence  }
0xb8: {  	s30 =	sld [smem:$0x0];
	_ =	sdelay $0x2  }
0xb9: {  	s31 =	sshll.u32 s1, $0xD;
	s1 =	sshrl.u32 s1, $0x2  }
0xba: {  	s3 =	sand.u32 $0x4000, s31;
	s1 =	sadd.s32 s1, s30  }
0xbb: {  	s0 =	sor.u32 s3, s0;
	s1 =	sshll.u32 s1, $0x11  }
0xbc: {  	s0 =	sor.u32 s1, s0  }
0xbd: {  	s0 =	sadd.s32 $0x8F2B, s0  }
0xbe: {  	[sflag:s0] =	ssyncadd.remote.s32 $0x1  }
0xbf: {  	_ =	sfence.sel $0xFFFF  }
0xc0: {  	[dreg:$0x0] =	wrdreg $0xFFFFFFFF;
	(pc) =	sbr.abs _section_cstart, $3  }
0xc1: {  	[dreg:$0x1] =	wrdreg $0xFFFFFFFF  }
0xc2: {  	_ =	task.clear_ibuf [dreg:s7], $0x2FFFF;
	_ =	strace $0x9FFFFFFF  }
0xc3: {  	(tm) =	ssettm $0x7FFFFFFF  }
tec
execute0_lowered:
.L_overlay_start_1:
0x0: {  	(tag) =	ssettag $0x1  }
0x1: {  	s0 =	rddreg [dreg:$0x0]  }
0x2: {  	s1 =	rddreg [dreg:$0x1]  }
0x3: {  	s2 =	rddreg [dreg:$0x2];
	s4 =	simm.s32 $0x0;
	s3 =	srdreg.scid  }
0x4: {  	s11 =	stileid.u32;
	s29 =	simm.s32 $0x1;
	s30 =	simm.s32 $0x60  }
0x5: {  	s31 =	simm.s32 $0x9580;
	s12 =	simm.s32 $0x6;
	s14 =	simm.s32 $0x13200  }
0x6: {  	s15 =	simm.s32 $0x4;
	[smem:$0x7FF] =	sst s4;
	s7 =	smul.u32 $0x128, s11  }
0x7: {  	s6 =	sadd.s32 $0x600, s0;
	s3 =	sand.u32 $0x1, s3;
	s8 =	smul.u32 $0x25000, s11  }
0x8: {  	s5 =	sadd.s32 $0x12E00, s0;
	s10 =	sshll.u32 s11, $0x1;
	s11 =	smul.u32 $0x1280, s11  }
0x9: {  	_ =	strace $0x80000047;
	s16 =	ssub.s32 $0x2, s3;
	s3 =	sor.u32 s3, s10  }
0xa: {  	s9 =	sshrl.u32 s16, $0x1;
	s8 =	sshrl.u32 s8, $0x2;
	s17 =	sadd.s32 s6, s11  }
0xb: {  	s18 =	sadd.s32 $0x60, s7;
	s7 =	sadd.s32 $0xC0, s7;
	s10 =	smul.u32 $0x6400, s3  }
0xc: {  	s23 =	smul.u32 $0x320000, s3;
	s13 =	sshll.u32 s3, $0x7;
	s0 =	ssub.s32 s16, s9  }
0xd: {  	[dreg:$0x4] =	wrdreg s17;
	s8 =	sadd.s32 s8, s2;
	s19 =	sshll.u32 s18, $0x4  }
0xe: {  	s20 =	sshll.u32 s7, $0x4;
	s7 =	sshll.u32 s7, $0x7;
	s26 =	sadd.s32 $0xFFFFFFFF, s13  }
0xf: {  	s16 =	simm.s32 $0x0;
	[dreg:$0x5] =	wrdreg s8;
	s9 =	sadd.s32 s6, s19  }
0x10: {  	s8 =	sshll.u32 s18, $0x7;
	s6 =	sadd.s32 s6, s20;
	s21 =	sshrl.u32 s10, $0x3  }
0x11: {  	s7 =	sadd.s32 s7, s2;
	[dreg:$0xd] =	wrdreg s26;
	s28 =	sshrl.u32 s23, $0x3  }
0x12: {  	s17 =	sor.u32 $0x60, s10;
	s18 =	sor.u32 $0x190, s10;
	s19 =	sor.u32 $0x1F0, s10  }
0x13: {  	s20 =	sor.u32 $0x258, s10;
	s0 =	smax.u32 s0, $0x1;
	[dreg:$0x6] =	wrdreg s9  }
0x14: {  	s23 =	simm.s32 $0x9600;
	s10 =	simm.s32 $0x7;
	[dreg:$0x8] =	wrdreg s6  }
0x15: {  	s8 =	sadd.s32 s8, s2;
	s22 =	sadd.s32 s1, s21;
	[dreg:$0xa] =	wrdreg s7  }
0x16: {  	s3 =	sadd.s32 s5, s28;
	[dreg:$0xf] =	wrdreg s0;
	s0 =	simm.s32 $0x2  }
0x17: {  	s6 =	simm.s32 $0xCA00;
	s7 =	simm.s32 $0x5;
	[dreg:$0x7] =	wrdreg s8  }
0x18: {  	s9 =	simm.s32 $0x3;
	s24 =	sadd.s32 $0xC, s22;
	[dreg:$0x9] =	wrdreg s22  }
0x19: {  	s21 =	simm.s32 $0x8;
	s25 =	sadd.s32 $0x19, s22;
	[dreg:$0xb] =	wrdreg s24  }
0x1a: {  	s3 =	sadd.s32 $0x63980, s3;
	s8 =	simm.s32 $0xFE00;
	[dreg:$0xc] =	wrdreg s25  }
0x1b: {  	[dreg:$0xe] =	wrdreg s3;
	s25 =	simm.s32 $0x9;
	s3 =	simm.s32 $0x68  }
.LBB2_1:
0x1c: {  	[dreg:$0x10] =	wrdreg s16  }
0x1d: {  	s11 =	rddreg [dreg:$0x4]  }
0x1e: {  	[tilespmem:s23], [sflag:$0x9] =	stream.linear.gather [hbm4b:s11+s4], $0x3000, $0x38;
	[tilespmem:$0x16600] =	vst v63  }
0x1f: {  	_ =	swait.ge [sflag:s25], $0x3000  }
0x20: {  	[sflag:s25] =	ssyncset.done $0x0  }
0x21: {  	s11 =	simm.s32 $0x0;
	[sflag:s25] =	ssyncadd.s32 $0xFFFFD000  }
0x22: {  	v3 =	vld [tilespmem:s11+$0x9600]  }
0x23: {  	v5 =	vld [tilespmem:s11+$0x9610]  }
0x24: {  	v4 =	vld [tilespmem:s11+$0x9620]  }
0x25: {  	v2 =	vld [tilespmem:s11+$0x9630]  }
0x26: {  	v0 =	vld [tilespmem:s11+$0x9640]  }
0x27: {  	v1 =	vld [tilespmem:s11+$0x9650];
	v6 =	vmul.f32 $8.000000000e+00, v3  }
0x28: {  	s22 =	simm.s32 $0x200;
	v5 =	vmul.f32 $8.000000000e+00, v5;
	v3 =	vld [tilespmem:s11+$0x9660]  }
.LBB2_2:
0x29: {  	s24 =	sshra.s32 s22, $0x2;
	p0 =	sne.s32 s22, $0xBE00;
	[tilespmem:s11+$0x9600] =	vst v6;
	v4 =	vmul.f32 $8.000000000e+00, v4;
	v6 =	vld [tilespmem:s11+$0x9670]  }
0x2a: {  	v7 =	vld [tilespmem:s24+$0x9600];
	[tilespmem:s11+$0x9610] =	vst v5;
	v2 =	vmul.f32 $8.000000000e+00, v2  }
0x2b: {  	v5 =	vld [tilespmem:s24+$0x9610];
	[tilespmem:s11+$0x9620] =	vst v4;
	v0 =	vmul.f32 $8.000000000e+00, v0  }
.Ltmp0:
0x2c: {  	v4 =	vld [tilespmem:s24+$0x9620];
	[tilespmem:s11+$0x9630] =	vst v2;
	v1 =	vmul.f32 $8.000000000e+00, v1;
	(pc) =	sbr.rel @p0 .LBB2_2-.Ltmp0, $4  }
0x2d: {  	v2 =	vld [tilespmem:s24+$0x9630];
	[tilespmem:s11+$0x9640] =	vst v0;
	v3 =	vmul.f32 $8.000000000e+00, v3  }
0x2e: {  	v0 =	vld [tilespmem:s24+$0x9640];
	[tilespmem:s11+$0x9650] =	vst v1;
	v8 =	vmul.f32 $8.000000000e+00, v6  }
0x2f: {  	v6 =	vmul.f32 $8.000000000e+00, v7;
	v1 =	vld [tilespmem:s24+$0x9650];
	[tilespmem:s11+$0x9660] =	vst v3  }
0x30: {  	s22 =	sadd.s32 $0x200, s22;
	v5 =	vmul.f32 $8.000000000e+00, v5;
	v3 =	vld [tilespmem:s24+$0x9660];
	[tilespmem:s11+$0x9670] =	vst v8;
	s11 =	smov.u32 s24  }
0x31: {  	[tilespmem:s11+$0x9600] =	vst v6;
	v4 =	vmul.f32 $8.000000000e+00, v4;
	v6 =	vld [tilespmem:s11+$0x9670]  }
0x32: {  	[tilespmem:s11+$0x9610] =	vst v5;
	v2 =	vmul.f32 $8.000000000e+00, v2  }
0x33: {  	[tilespmem:s11+$0x9620] =	vst v4;
	v0 =	vmul.f32 $8.000000000e+00, v0  }
0x34: {  	[tilespmem:s11+$0x9630] =	vst v2;
	v1 =	vmul.f32 $8.000000000e+00, v1  }
0x35: {  	[tilespmem:s11+$0x9640] =	vst v0;
	v0 =	vmul.f32 $8.000000000e+00, v3  }
0x36: {  	[tilespmem:s11+$0x9650] =	vst v1;
	v1 =	vmul.f32 $8.000000000e+00, v6  }
0x37: {  	[tilespmem:s11+$0x9660] =	vst v0  }
0x38: {  	s26 =	rddreg [dreg:$0x5];
	[tilespmem:s11+$0x9670] =	vst v1  }
0x39: {  	[spmem:s26] =	stream.linear.scatter [tilespmem:s23], [sflag:$0x9], $0x3000, $0x38;
	[tilespmem:$0x16600] =	vst v63  }
0x3a: {  	_ =	swait.ge [sflag:s25], $0x3000  }
0x3b: {  	[sflag:s25] =	ssyncset.done $0x0  }
0x3c: {  	s28 =	simm.s32 $0x0;
	s16 =	rddreg [dreg:$0x6];
	[sflag:s25] =	ssyncadd.s32 $0xFFFFD000  }
0x3d: {  	[tilespmem:s23], [sflag:$0x9] =	stream.linear.gather [hbm4b:s16+s28], $0x3000, $0x38;
	[tilespmem:$0x16600] =	vst v63  }
0x3e: {  	_ =	swait.ge [sflag:s25], $0x3000  }
0x3f: {  	[sflag:s25] =	ssyncset.done $0x0  }
0x40: {  	s11 =	simm.s32 $0x0;
	[sflag:s25] =	ssyncadd.s32 $0xFFFFD000  }
0x41: {  	v3 =	vld [tilespmem:s11+$0x9600]  }
0x42: {  	v5 =	vld [tilespmem:s11+$0x9610]  }
0x43: {  	v4 =	vld [tilespmem:s11+$0x9620]  }
0x44: {  	v2 =	vld [tilespmem:s11+$0x9630]  }
0x45: {  	v0 =	vld [tilespmem:s11+$0x9640]  }
0x46: {  	v1 =	vld [tilespmem:s11+$0x9650];
	v6 =	vmul.f32 $8.000000000e+00, v3  }
0x47: {  	s22 =	simm.s32 $0x200;
	v5 =	vmul.f32 $8.000000000e+00, v5;
	v3 =	vld [tilespmem:s11+$0x9660]  }
.LBB2_4:
0x48: {  	s24 =	sshra.s32 s22, $0x2;
	p0 =	sne.s32 s22, $0xBE00;
	[tilespmem:s11+$0x9600] =	vst v6;
	v4 =	vmul.f32 $8.000000000e+00, v4;
	v6 =	vld [tilespmem:s11+$0x9670]  }
0x49: {  	v7 =	vld [tilespmem:s24+$0x9600];
	[tilespmem:s11+$0x9610] =	vst v5;
	v2 =	vmul.f32 $8.000000000e+00, v2  }
0x4a: {  	v5 =	vld [tilespmem:s24+$0x9610];
	[tilespmem:s11+$0x9620] =	vst v4;
	v0 =	vmul.f32 $8.000000000e+00, v0  }
.Ltmp1:
0x4b: {  	v4 =	vld [tilespmem:s24+$0x9620];
	[tilespmem:s11+$0x9630] =	vst v2;
	v1 =	vmul.f32 $8.000000000e+00, v1;
	(pc) =	sbr.rel @p0 .LBB2_4-.Ltmp1, $4  }
0x4c: {  	v2 =	vld [tilespmem:s24+$0x9630];
	[tilespmem:s11+$0x9640] =	vst v0;
	v3 =	vmul.f32 $8.000000000e+00, v3  }
0x4d: {  	v0 =	vld [tilespmem:s24+$0x9640];
	[tilespmem:s11+$0x9650] =	vst v1;
	v8 =	vmul.f32 $8.000000000e+00, v6  }
0x4e: {  	v6 =	vmul.f32 $8.000000000e+00, v7;
	v1 =	vld [tilespmem:s24+$0x9650];
	[tilespmem:s11+$0x9660] =	vst v3  }
0x4f: {  	s22 =	sadd.s32 $0x200, s22;
	v5 =	vmul.f32 $8.000000000e+00, v5;
	v3 =	vld [tilespmem:s24+$0x9660];
	[tilespmem:s11+$0x9670] =	vst v8;
	s11 =	smov.u32 s24  }
0x50: {  	[tilespmem:s11+$0x9600] =	vst v6;
	v4 =	vmul.f32 $8.000000000e+00, v4;
	v6 =	vld [tilespmem:s11+$0x9670]  }
0x51: {  	[tilespmem:s11+$0x9610] =	vst v5;
	v2 =	vmul.f32 $8.000000000e+00, v2  }
0x52: {  	[tilespmem:s11+$0x9620] =	vst v4;
	v0 =	vmul.f32 $8.000000000e+00, v0  }
0x53: {  	[tilespmem:s11+$0x9630] =	vst v2;
	v1 =	vmul.f32 $8.000000000e+00, v1  }
0x54: {  	[tilespmem:s11+$0x9640] =	vst v0;
	v0 =	vmul.f32 $8.000000000e+00, v3  }
0x55: {  	[tilespmem:s11+$0x9650] =	vst v1;
	v1 =	vmul.f32 $8.000000000e+00, v6  }
0x56: {  	[tilespmem:s11+$0x9660] =	vst v0  }
0x57: {  	s26 =	rddreg [dreg:$0x7];
	[tilespmem:s11+$0x9670] =	vst v1  }
0x58: {  	[spmem:s26] =	stream.linear.scatter [tilespmem:s23], [sflag:$0x9], $0x3000, $0x38;
	[tilespmem:$0x16600] =	vst v63  }
0x59: {  	_ =	swait.ge [sflag:s25], $0x3000  }
0x5a: {  	[sflag:s25] =	ssyncset.done $0x0  }
0x5b: {  	s28 =	simm.s32 $0x0;
	s16 =	rddreg [dreg:$0x8];
	[sflag:s25] =	ssyncadd.s32 $0xFFFFD000  }
0x5c: {  	[tilespmem:s23], [sflag:$0x9] =	stream.linear.gather [hbm4b:s16+s28], $0x3400, $0x38;
	[tilespmem:$0x16600] =	vst v63  }
0x5d: {  	_ =	swait.ge [sflag:s25], $0x3400  }
0x5e: {  	[sflag:s25] =	ssyncset.done $0x0  }
0x5f: {  	s11 =	simm.s32 $0x0;
	[sflag:s25] =	ssyncadd.s32 $0xFFFFCC00  }
0x60: {  	v3 =	vld [tilespmem:s11+$0x9600]  }
0x61: {  	v5 =	vld [tilespmem:s11+$0x9610]  }
0x62: {  	v4 =	vld [tilespmem:s11+$0x9620]  }
0x63: {  	v2 =	vld [tilespmem:s11+$0x9630]  }
0x64: {  	v0 =	vld [tilespmem:s11+$0x9640]  }
0x65: {  	v1 =	vld [tilespmem:s11+$0x9650];
	v6 =	vmul.f32 $8.000000000e+00, v3  }
0x66: {  	s22 =	simm.s32 $0x200;
	v5 =	vmul.f32 $8.000000000e+00, v5;
	v3 =	vld [tilespmem:s11+$0x9660]  }
.LBB2_6:
0x67: {  	s24 =	sshra.s32 s22, $0x2;
	p0 =	sne.s32 s22, $0xCE00;
	[tilespmem:s11+$0x9600] =	vst v6;
	v4 =	vmul.f32 $8.000000000e+00, v4;
	v6 =	vld [tilespmem:s11+$0x9670]  }
0x68: {  	v7 =	vld [tilespmem:s24+$0x9600];
	[tilespmem:s11+$0x9610] =	vst v5;
	v2 =	vmul.f32 $8.000000000e+00, v2  }
0x69: {  	v5 =	vld [tilespmem:s24+$0x9610];
	[tilespmem:s11+$0x9620] =	vst v4;
	v0 =	vmul.f32 $8.000000000e+00, v0  }
.Ltmp2:
0x6a: {  	v4 =	vld [tilespmem:s24+$0x9620];
	[tilespmem:s11+$0x9630] =	vst v2;
	v1 =	vmul.f32 $8.000000000e+00, v1;
	(pc) =	sbr.rel @p0 .LBB2_6-.Ltmp2, $4  }
0x6b: {  	v2 =	vld [tilespmem:s24+$0x9630];
	[tilespmem:s11+$0x9640] =	vst v0;
	v3 =	vmul.f32 $8.000000000e+00, v3  }
0x6c: {  	v0 =	vld [tilespmem:s24+$0x9640];
	[tilespmem:s11+$0x9650] =	vst v1;
	v8 =	vmul.f32 $8.000000000e+00, v6  }
0x6d: {  	v6 =	vmul.f32 $8.000000000e+00, v7;
	v1 =	vld [tilespmem:s24+$0x9650];
	[tilespmem:s11+$0x9660] =	vst v3  }
0x6e: {  	s22 =	sadd.s32 $0x200, s22;
	v5 =	vmul.f32 $8.000000000e+00, v5;
	v3 =	vld [tilespmem:s24+$0x9660];
	[tilespmem:s11+$0x9670] =	vst v8;
	s11 =	smov.u32 s24  }
0x6f: {  	[tilespmem:s11+$0x9600] =	vst v6;
	v4 =	vmul.f32 $8.000000000e+00, v4;
	v61 =	vld [tilespmem:s11+$0x9670]  }
0x70: {  	[tilespmem:s11+$0x9610] =	vst v5;
	v2 =	vmul.f32 $8.000000000e+00, v2  }
0x71: {  	[tilespmem:s11+$0x9620] =	vst v4;
	v0 =	vmul.f32 $8.000000000e+00, v0  }
0x72: {  	[tilespmem:s11+$0x9630] =	vst v2;
	v1 =	vmul.f32 $8.000000000e+00, v1  }
0x73: {  	[tilespmem:s11+$0x9640] =	vst v0;
	v62 =	vmul.f32 $8.000000000e+00, v3  }
0x74: {  	[tilespmem:s11+$0x9650] =	vst v1;
	v63 =	vmul.f32 $8.000000000e+00, v61  }
0x75: {  	[tilespmem:s11+$0x9660] =	vst v62  }
0x76: {  	s22 =	rddreg [dreg:$0xa];
	[tilespmem:s11+$0x9670] =	vst v63  }
0x77: {  	[spmem:s22] =	stream.linear.scatter [tilespmem:s23], [sflag:$0x9], $0x3400, $0x38;
	[tilespmem:$0x16600] =	vst v63  }
0x78: {  	_ =	swait.ge [sflag:s25], $0x3400  }
0x79: {  	[sflag:s25] =	ssyncset.done $0x0  }
0x7a: {  	[sflag:s25] =	ssyncadd.s32 $0xFFFFCC00  }
0x7b: {  	[bflag:$0x0] =	sbarrier.arrive $0xFFFF  }
0x7c: {  	s11 =	simm.s32 $0x0;
	s22 =	simm.s32 $0x9400;
	s16 =	rddreg [dreg:$0x9]  }
0x7d: {  	[tilespmem:s22], [sflag:$0x1] =	stream.linear.gather [hbm4b:s16+s11], $0x60, $0x38;
	[tilespmem:$0x16600] =	vst v63  }
0x7e: {  	s25 =	simm.s32 $0x9480;
	s24 =	rddreg [dreg:$0xb]  }
0x7f: {  	[tilespmem:s25], [sflag:$0x2] =	stream.linear.gather [hbm4b:s24+s11], $0x68, $0x38;
	[tilespmem:$0x16600] =	vst v63  }
0x80: {  	s28 =	simm.s32 $0x9500;
	s26 =	rddreg [dreg:$0xc]  }
0x81: {  	[tilespmem:s28], [sflag:$0x3] =	stream.linear.gather [hbm4b:s26+s11], $0x60, $0x38;
	[tilespmem:$0x16600] =	vst v63  }
.LBB2_8:
0x82: {  	p0 =	seq.s32 s11, $0x0  }
.Ltmp3:
0x83: {  	_ = 	snop;
	(pc) =	sbr.rel @p0 .LBB2_12-.Ltmp3, $4  }
0x84: {  	_ = 	snop  }
0x85: {  	_ =	swait.ge [sflag:s29], $0x60  }
0x86: {  	[sflag:s29] =	ssyncset.done $0x0  }
0x87: {  	s22 =	sshll.u32 s11, $0x1;
	[sflag:s29] =	ssyncadd.s32 $0xFFFFFFA0  }
0x88: {  	_ =	swait.ge [sflag:s10], $0x3000  }
0x89: {  	[sflag:s10] =	ssyncset.done $0x0  }
0x8a: {  	s16 =	simm.s32 $0x9400;
	[sflag:s10] =	ssyncadd.s32 $0xFFFFD000  }
0x8b: {  	[tilespmem:s23], [sflag:$0x5] =	stream.indirect.gather [spmem:s2], $0x80, s16, s30, $0xb8;
	[tilespmem:$0x16600] =	vst v63  }
0x8c: {  	_ =	swait.ge [sflag:s12], $0x3400  }
0x8d: {  	[sflag:s12] =	ssyncset.done $0x0  }
0x8e: {  	s24 =	simm.s32 $0x0;
	[sflag:s12] =	ssyncadd.s32 $0xFFFFCC00  }
0x8f: {  	v1 =	vld [tilespmem:s24+$0xCA30]  }
0x90: {  	v2 =	vld [tilespmem:s24+$0xCA00]  }
0x91: {  	v0 =	vld [tilespmem:s24+$0xCA10]  }
0x92: {  	s25 =	simm.s32 $0x200;
	v3 =	vld [tilespmem:s24+$0xCA20]  }
.LBB2_10:
0x93: {  	p1 =	sne.s32 s25, $0xCE00  }
.Ltmp4:
0x94: {  	s26 =	sshra.s32 s25, $0x2;
	s25 =	sadd.s32 $0x200, s25;
	[tilespmem:s24+$0x13230] =	vst v1;
	(pc) =	sbr.rel @p1 .LBB2_10-.Ltmp4, $4  }
0x95: {  	v1 =	vld [tilespmem:s26+$0xCA30];
	[tilespmem:s24+$0x13200] =	vst v2  }
0x96: {  	v2 =	vld [tilespmem:s26+$0xCA00];
	[tilespmem:s24+$0x13210] =	vst v0  }
0x97: {  	v0 =	vld [tilespmem:s26+$0xCA10];
	[tilespmem:s24+$0x13220] =	vst v3;
	s24 =	smov.u32 s26  }
0x98: {  	v3 =	vld [tilespmem:s24+$0xCA20]  }
0x99: {  	s16 =	rddreg [dreg:$0xd]  }
0x9a: {  	s25 =	sadd.s32 s22, s16  }
0x9b: {  	s25 =	smul.u32 $0x6400, s25  }
.Ltmp5:
0x9c: {  	[tilespmem:s24+$0x13230] =	vst v1;
	(pc) =	sbr.rel .LBB2_13-.Ltmp5, $4  }
0x9d: {  	[tilespmem:s24+$0x13200] =	vst v2;
	s25 =	sadd.s32 $0x3000, s25  }
0x9e: {  	[tilespmem:s24+$0x13210] =	vst v0;
	s25 =	sshrl.u32 s25, $0x3  }
0x9f: {  	[tilespmem:s24+$0x13220] =	vst v3;
	s28 =	sadd.s32 s5, s25  }
0xa0: {  	[hbm4b:s28+s4] =	stream.linear.scatter [tilespmem:s14], [sflag:$0x8], $0x3400, $0x38;
	[tilespmem:$0x16600] =	vst v63  }
.LBB2_12:
0xa1: {  	s16 =	simm.s32 $0x9400  }
0xa2: {  	[tilespmem:s23], [sflag:$0x5] =	stream.indirect.gather [spmem:s2], $0x80, s16, s30, $0xb8;
	[tilespmem:$0x16600] =	vst v63  }
.LBB2_13:
0xa3: {  	s24 =	sor.u32 $0x1, s22  }
0xa4: {  	s25 =	smul.u32 $0xC8, s24;
	_ =	sdelay $0x1  }
0xa5: {  	s25 =	sadd.s32 s25, s17  }
0xa6: {  	s25 =	sshrl.u32 s25, $0x3  }
0xa7: {  	s25 =	sadd.s32 s1, s25  }
0xa8: {  	[tilespmem:s31], [sflag:$0x4] =	stream.linear.gather [hbm4b:s25+s4], $0x68, $0x38;
	[tilespmem:$0x16600] =	vst v63  }
0xa9: {  	_ =	swait.ge [sflag:s0], $0x68  }
0xaa: {  	[sflag:s0] =	ssyncset.done $0x0  }
0xab: {  	s25 =	simm.s32 @!p0 $0x8;
	[sflag:s0] =	ssyncadd.s32 $0xFFFFFF98  }
0xac: {  	_ =	swait.ge @!p0 [sflag:s25], $0x3400  }
0xad: {  	[sflag:s25] =	ssyncset.done @!p0 $0x0  }
0xae: {  	s16 =	simm.s32 $0x9480;
	[sflag:s25] =	ssyncadd.s32 @!p0 $0xFFFFCC00  }
0xaf: {  	[tilespmem:s6], [sflag:$0x6] =	stream.indirect.gather [spmem:s2], $0x80, s16, s3, $0xb8;
	[tilespmem:$0x16600] =	vst v63  }
0xb0: {  	_ =	swait.ge [sflag:s7], $0x3000  }
0xb1: {  	[sflag:s7] =	ssyncset.done $0x0  }
0xb2: {  	s25 =	simm.s32 $0x0;
	[sflag:s7] =	ssyncadd.s32 $0xFFFFD000  }
0xb3: {  	v3 =	vld [tilespmem:s25+$0x9630]  }
0xb4: {  	v0 =	vld [tilespmem:s25+$0x9600]  }
0xb5: {  	v1 =	vld [tilespmem:s25+$0x9610]  }
0xb6: {  	s26 =	simm.s32 $0x200;
	v2 =	vld [tilespmem:s25+$0x9620]  }
.LBB2_14:
0xb7: {  	p0 =	sne.s32 s26, $0xBE00  }
.Ltmp6:
0xb8: {  	s28 =	sshra.s32 s26, $0x2;
	s26 =	sadd.s32 $0x200, s26;
	[tilespmem:s25+$0xFE30] =	vst v3;
	(pc) =	sbr.rel @p0 .LBB2_14-.Ltmp6, $4  }
0xb9: {  	v3 =	vld [tilespmem:s28+$0x9630];
	[tilespmem:s25+$0xFE00] =	vst v0  }
0xba: {  	v0 =	vld [tilespmem:s28+$0x9600];
	[tilespmem:s25+$0xFE10] =	vst v1  }
0xbb: {  	v1 =	vld [tilespmem:s28+$0x9610];
	[tilespmem:s25+$0xFE20] =	vst v2;
	s25 =	smov.u32 s28  }
0xbc: {  	v2 =	vld [tilespmem:s25+$0x9620]  }
0xbd: {  	s22 =	sor.u32 s13, s22  }
0xbe: {  	[tilespmem:s25+$0xFE30] =	vst v3;
	s22 =	smul.u32 $0x6400, s22  }
0xbf: {  	[tilespmem:s25+$0xFE00] =	vst v0  }
0xc0: {  	p0 =	seq.s32 s11, $0x3F;
	[tilespmem:s25+$0xFE10] =	vst v1;
	s22 =	sshrl.u32 s22, $0x3  }
0xc1: {  	[tilespmem:s25+$0xFE20] =	vst v2;
	s25 =	sadd.s32 s5, s22;
	s22 =	smul.u32 @!p0 $0x190, s11  }
0xc2: {  	[hbm4b:s25+s4] =	stream.linear.scatter [tilespmem:s8], [sflag:$0x7], $0x3000, $0x38;
	[tilespmem:$0x16600] =	vst v63  }
0xc3: {  	s26 =	sadd.s32 @!p0 s22, s18  }
0xc4: {  	s26 =	sshrl.u32 @!p0 s26, $0x3  }
0xc5: {  	s28 =	simm.s32 @!p0 $0x0;
	s16 =	simm.s32 @!p0 $0x9400;
	s26 =	sadd.s32 @!p0 s1, s26  }
0xc6: {  	[tilespmem:s16], [sflag:$0x1] =	stream.linear.gather @!p0 [hbm4b:s26+s28], $0x60, $0x38;
	[tilespmem:$0x16600] =	vst v63  }
0xc7: {  	_ =	swait.ge [sflag:s9], $0x60  }
0xc8: {  	[sflag:s9] =	ssyncset.done $0x0  }
0xc9: {  	[sflag:s9] =	ssyncadd.s32 $0xFFFFFFA0  }
0xca: {  	_ =	swait.ge [sflag:s10], $0x3000  }
0xcb: {  	[sflag:s10] =	ssyncset.done $0x0  }
0xcc: {  	s26 =	simm.s32 $0x9500;
	[sflag:s10] =	ssyncadd.s32 $0xFFFFD000  }
0xcd: {  	[tilespmem:s23], [sflag:$0x5] =	stream.indirect.gather [spmem:s2], $0x80, s26, s30, $0xb8;
	[tilespmem:$0x16600] =	vst v63  }
0xce: {  	_ =	swait.ge [sflag:s12], $0x3400  }
0xcf: {  	[sflag:s12] =	ssyncset.done $0x0  }
0xd0: {  	s26 =	simm.s32 $0x0;
	[sflag:s12] =	ssyncadd.s32 $0xFFFFCC00  }
0xd1: {  	s24 =	sadd.s32 s13, s24;
	v0 =	vld [tilespmem:s26+$0xCA30]  }
0xd2: {  	s16 =	smul.u32 $0xC80, s24;
	v1 =	vld [tilespmem:s26+$0xCA00]  }
0xd3: {  	v2 =	vld [tilespmem:s26+$0xCA10]  }
0xd4: {  	s11 =	sadd.s32 $0x1, s11;
	s28 =	simm.s32 $0x200;
	s24 =	sadd.s32 s5, s16;
	v3 =	vld [tilespmem:s26+$0xCA20]  }
.LBB2_16:
0xd5: {  	p1 =	sne.s32 s28, $0xCE00  }
.Ltmp7:
0xd6: {  	s16 =	sshra.s32 s28, $0x2;
	s28 =	sadd.s32 $0x200, s28;
	[tilespmem:s26+$0x13230] =	vst v0;
	(pc) =	sbr.rel @p1 .LBB2_16-.Ltmp7, $4  }
0xd7: {  	v0 =	vld [tilespmem:s16+$0xCA30];
	[tilespmem:s26+$0x13200] =	vst v1  }
0xd8: {  	v1 =	vld [tilespmem:s16+$0xCA00];
	[tilespmem:s26+$0x13210] =	vst v2  }
0xd9: {  	v2 =	vld [tilespmem:s16+$0xCA10];
	[tilespmem:s26+$0x13220] =	vst v3;
	s26 =	smov.u32 s16  }
0xda: {  	v3 =	vld [tilespmem:s26+$0xCA20]  }
0xdb: {  	_ = 	snop  }
0xdc: {  	[tilespmem:s26+$0x13230] =	vst v0  }
0xdd: {  	[tilespmem:s26+$0x13200] =	vst v1  }
0xde: {  	[tilespmem:s26+$0x13210] =	vst v2  }
0xdf: {  	s16 =	sadd.s32 $0x600, s25;
	[tilespmem:s26+$0x13220] =	vst v3  }
0xe0: {  	[hbm4b:s16+s4] =	stream.linear.scatter [tilespmem:s14], [sflag:$0x8], $0x3400, $0x38;
	[tilespmem:$0x16600] =	vst v63  }
0xe1: {  	s16 =	sadd.s32 @!p0 s22, s19  }
0xe2: {  	s16 =	sshrl.u32 @!p0 s16, $0x3  }
0xe3: {  	s25 =	simm.s32 @!p0 $0x0;
	s26 =	simm.s32 @!p0 $0x9480;
	s16 =	sadd.s32 @!p0 s1, s16  }
0xe4: {  	[tilespmem:s26], [sflag:$0x2] =	stream.linear.gather @!p0 [hbm4b:s16+s25], $0x68, $0x38;
	[tilespmem:$0x16600] =	vst v63  }
0xe5: {  	_ =	swait.ge [sflag:s15], $0x68  }
0xe6: {  	[sflag:s15] =	ssyncset.done $0x0  }
0xe7: {  	[sflag:s15] =	ssyncadd.s32 $0xFFFFFF98  }
0xe8: {  	_ =	swait.ge [sflag:s21], $0x3400  }
0xe9: {  	[sflag:s21] =	ssyncset.done $0x0  }
0xea: {  	[sflag:s21] =	ssyncadd.s32 $0xFFFFCC00  }
0xeb: {  	[tilespmem:s6], [sflag:$0x6] =	stream.indirect.gather [spmem:s2], $0x80, s31, s3, $0xb8;
	[tilespmem:$0x16600] =	vst v63  }
0xec: {  	_ =	swait.ge [sflag:s7], $0x3000  }
0xed: {  	[sflag:s7] =	ssyncset.done $0x0  }
0xee: {  	s25 =	simm.s32 $0x0;
	[sflag:s7] =	ssyncadd.s32 $0xFFFFD000  }
0xef: {  	v0 =	vld [tilespmem:s25+$0x9630]  }
0xf0: {  	v1 =	vld [tilespmem:s25+$0x9600]  }
0xf1: {  	v2 =	vld [tilespmem:s25+$0x9610]  }
0xf2: {  	s26 =	simm.s32 $0x200;
	v3 =	vld [tilespmem:s25+$0x9620]  }
.LBB2_18:
0xf3: {  	p1 =	sne.s32 s26, $0xBE00  }
.Ltmp8:
0xf4: {  	s16 =	sshra.s32 s26, $0x2;
	s26 =	sadd.s32 $0x200, s26;
	[tilespmem:s25+$0xFE30] =	vst v0;
	(pc) =	sbr.rel @p1 .LBB2_18-.Ltmp8, $4  }
0xf5: {  	v0 =	vld [tilespmem:s16+$0x9630];
	[tilespmem:s25+$0xFE00] =	vst v1  }
0xf6: {  	v1 =	vld [tilespmem:s16+$0x9600];
	[tilespmem:s25+$0xFE10] =	vst v2  }
0xf7: {  	v2 =	vld [tilespmem:s16+$0x9610];
	[tilespmem:s25+$0xFE20] =	vst v3;
	s25 =	smov.u32 s16  }
0xf8: {  	v3 =	vld [tilespmem:s25+$0x9620]  }
0xf9: {  	_ = 	snop  }
0xfa: {  	[tilespmem:s25+$0xFE30] =	vst v0  }
0xfb: {  	[tilespmem:s25+$0xFE00] =	vst v1  }
0xfc: {  	s16 =	sadd.s32 @!p0 s22, s20;
	[tilespmem:s25+$0xFE10] =	vst v2  }
0xfd: {  	s22 =	simm.s32 @!p0 $0x0;
	s16 =	sshrl.u32 @!p0 s16, $0x3;
	[tilespmem:s25+$0xFE20] =	vst v3  }
0xfe: {  	[hbm4b:s24+s4] =	stream.linear.scatter [tilespmem:s8], [sflag:$0x7], $0x3000, $0x38;
	[tilespmem:$0x16600] =	vst v63  }
0xff: {  	p1 =	sne.s32 @!p0 s11, $0x40;
	s16 =	sadd.s32 @!p0 s1, s16;
	s24 =	simm.s32 @!p0 $0x9500  }
0x100: {  	[tilespmem:s24], [sflag:$0x3] =	stream.linear.gather @!p0 [hbm4b:s16+s22], $0x60, $0x38;
	[tilespmem:$0x16600] =	vst v63  }
0x101: {  	p0 =	por p0, !p1  }
.Ltmp9:
0x102: {  	_ = 	snop;
	(pc) =	sbr.rel @!p0 .LBB2_8-.Ltmp9, $1  }
0x103: {  	_ =	sdelay $0x3  }
0x104: {  	_ =	swait.ge [sflag:s12], $0x3400  }
0x105: {  	[sflag:s12] =	ssyncset.done $0x0  }
0x106: {  	s11 =	simm.s32 $0x0;
	[sflag:s12] =	ssyncadd.s32 $0xFFFFCC00  }
0x107: {  	v0 =	vld [tilespmem:s11+$0xCA30]  }
0x108: {  	v1 =	vld [tilespmem:s11+$0xCA00]  }
0x109: {  	v2 =	vld [tilespmem:s11+$0xCA10]  }
0x10a: {  	s22 =	simm.s32 $0x200;
	v3 =	vld [tilespmem:s11+$0xCA20]  }
.LBB2_21:
0x10b: {  	p0 =	sne.s32 s22, $0xCE00  }
.Ltmp10:
0x10c: {  	s16 =	sshra.s32 s22, $0x2;
	s22 =	sadd.s32 $0x200, s22;
	[tilespmem:s11+$0x13230] =	vst v0;
	(pc) =	sbr.rel @p0 .LBB2_21-.Ltmp10, $4  }
0x10d: {  	v0 =	vld [tilespmem:s16+$0xCA30];
	[tilespmem:s11+$0x13200] =	vst v1  }
0x10e: {  	v1 =	vld [tilespmem:s16+$0xCA00];
	[tilespmem:s11+$0x13210] =	vst v2  }
0x10f: {  	v2 =	vld [tilespmem:s16+$0xCA10];
	[tilespmem:s11+$0x13220] =	vst v3;
	s11 =	smov.u32 s16  }
0x110: {  	v3 =	vld [tilespmem:s11+$0xCA20]  }
0x111: {  	_ = 	snop  }
0x112: {  	[tilespmem:s11+$0x13230] =	vst v0  }
0x113: {  	[tilespmem:s11+$0x13200] =	vst v1  }
0x114: {  	[tilespmem:s11+$0x13210] =	vst v2  }
0x115: {  	s26 =	rddreg [dreg:$0xe];
	[tilespmem:s11+$0x13220] =	vst v3  }
0x116: {  	[hbm4b:s26+s4] =	stream.linear.scatter [tilespmem:s14], [sflag:$0x8], $0x3400, $0x38;
	[tilespmem:$0x16600] =	vst v63  }
0x117: {  	_ =	swait.ge [sflag:s10], $0x3000  }
0x118: {  	[sflag:s10] =	ssyncset.done $0x0  }
0x119: {  	[sflag:s10] =	ssyncadd.s32 $0xFFFFD000  }
0x11a: {  	_ =	swait.ge [sflag:s21], $0x3400  }
0x11b: {  	s16 =	rddreg [dreg:$0x10]  }
0x11c: {  	s28 =	rddreg [dreg:$0xf];
	s16 =	sadd.s32 $0x1, s16  }
0x11d: {  	p0 =	sne.s32 s16, s28  }
.Ltmp11:
0x11e: {  	_ = 	snop;
	(pc) =	sbr.rel @p0 .LBB2_1-.Ltmp11, $3  }
0x11f: {  	_ =	sdelay $0x1  }
0x120: {  	[sflag:s21] =	ssyncset.done $0x0  }
0x121: {  	s25 =	simm.s32 $0x9;
	[sflag:s21] =	ssyncadd.s32 $0xFFFFCC00  }
0x122: {  	_ =	sfence.sel $0x180000  }
0x123: {  	[bflag:$0x0] =	sbarrier.arrive $0xFFFF  }
0x124: {  	_ =	strace $0x90000047  }
0x125: {  	s0 =	stileid.u32;
	[bflag:$0x2] =	sbarrier.arrive $0xFFFF  }
0x126: {  	p0 =	sne.s32 s0, $0x0;
	s0 =	rddreg [dreg:$0x3]  }
0x127: {  	s0 =	sadd.s32 @!p0 $0x100000, s0  }
0x128: {  	[sflag:s0] =	ssyncadd.tile.s32 @!p0 $0x1;
	_ =	shalt  }
.Lfunc_end2:
_tile_overlayer_lowered:
.L_overlay_start_2:
0x129: {  	(tag) =	ssettag $0x2  }
0x12a: {  	s0 =	rddreg [dreg:$0x0];
	s2 =	stileid.u32  }
0x12b: {  	s1 =	rddreg [dreg:$0x1];
	p0 =	sne.s32 s2, $0x0  }
0x12c: {  	s3 =	rddreg [dreg:$0x2];
	[bflag:$0x3] =	sbarrier.arrive $0xFFFF;
	s2 =	simm.s32 @!p0 $0x1C09  }
0x12d: {  	[timem:s3], [sflag:s2] =	dma.local @!p0 [hbm:s0], s1  }
0x12e: {  	s0 =	simm.s32 @!p0 $0x9  }
0x12f: {  	_ =	swait.ge @!p0 [sflag:s0], s1  }
0x130: {  	s1 =	ssub.s32 @!p0 $0x0, s1;
	[sflag:s0] =	ssyncset.done @!p0 $0x0  }
0x131: {  	[sflag:s0] =	ssyncadd.s32 @!p0 s1  }
0x132: {  	[bflag:$0x3] =	sbarrier.arrive $0xFFFF  }
0x133: {  	_ =	shalt  }

</sc_bundles>
